<compile_context>
chip_gen: v7x
topology: tpu7x:2x2x1
jax: 0.10.2.dev20260603
libtpu: 0.0.44.dev20260713+nightly
codegen_flags: <defaults>
</compile_context>

<pallas_src>
import functools

import jax
import jax.numpy as jnp
from jax import lax
from jax.experimental import pallas as pl
from jax.experimental.pallas import tpu as pltpu
from jax.experimental.pallas import tpu_sc as plsc

EMBED_DIM = 128
MAX_LEN = 500
N = 16384

NUM_CORES = 2
NUM_SUBCORES = 16
NUM_WORKERS = NUM_CORES * NUM_SUBCORES
B_PER_W = N // NUM_WORKERS
CHUNK = 128
NCHUNKS = B_PER_W // CHUNK
LANES = 16
VECS_PER_ROW = EMBED_DIM // LANES


def _sc_body(
    xs_hbm, ys_hbm, pe_hbm, out_hbm, tab, xs_v, ys_v, tmp,
    bx0, bx1, sg, so0, so1,
):
    bx = (bx0, bx1)
    so = (so0, so1)

    sid = lax.axis_index("s")
    wid = sid * NUM_CORES + lax.axis_index("c")
    base = wid * B_PER_W

    def scale_rows(nrows):
        def row_step(r, _):
            for k in range(VECS_PER_ROW):
                sl = pl.ds(k * LANES, LANES)
                tmp[r, sl] = tmp[r, sl] * 0.5
            return ()

        lax.fori_loop(0, nrows, row_step, ())

    @pl.when(sid < NUM_SUBCORES - 1)
    def _full_stripe():
        start = pl.multiple_of(sid * 32, 32)
        pltpu.sync_copy(pe_hbm.at[pl.ds(start, 32)], tmp)
        scale_rows(32)
        pltpu.sync_copy(tmp, tab.at[pl.ds(start, 32)])

    @pl.when(sid == NUM_SUBCORES - 1)
    def _tail_stripe():
        pltpu.sync_copy(pe_hbm.at[pl.ds(480, 20)], tmp.at[pl.ds(0, 20)])
        scale_rows(20)
        pltpu.sync_copy(tmp.at[pl.ds(0, 20)], tab.at[pl.ds(480, 20)])

    pltpu.sync_copy(xs_hbm.at[pl.ds(base, B_PER_W)], xs_v)
    pltpu.sync_copy(ys_hbm.at[pl.ds(base, B_PER_W)], ys_v)
    plsc.subcore_barrier()

    pend_out = [None, None]
    for c in range(NCHUNKS):
        p = c % 2
        if pend_out[p] is not None:
            pend_out[p].wait()
            pend_out[p] = None
        pltpu.async_copy(
            tab.at[xs_v.at[pl.ds(c * CHUNK, CHUNK)]], bx[p], sg
        ).wait()
        pltpu.async_copy(
            tab.at[ys_v.at[pl.ds(c * CHUNK, CHUNK)]], bx[p], sg, add=True
        ).wait()
        pend_out[p] = pltpu.async_copy(
            bx[p], out_hbm.at[pl.ds(base + c * CHUNK, CHUNK)], so[p]
        )
    for p in range(2):
        if pend_out[p] is not None:
            pend_out[p].wait()


@jax.jit
def _pe_lookup(xs, ys, pe):
    mesh = plsc.VectorSubcoreMesh(core_axis_name="c", subcore_axis_name="s")
    return pl.kernel(
        _sc_body,
        mesh=mesh,
        out_type=jax.ShapeDtypeStruct((N, EMBED_DIM), jnp.float32),
        scratch_types=[
            pltpu.VMEM_SHARED((MAX_LEN, EMBED_DIM), jnp.float32),
            pltpu.VMEM((B_PER_W,), jnp.int32),
            pltpu.VMEM((B_PER_W,), jnp.int32),
            pltpu.VMEM((32, EMBED_DIM), jnp.float32),
            pltpu.VMEM((CHUNK, EMBED_DIM), jnp.float32),
            pltpu.VMEM((CHUNK, EMBED_DIM), jnp.float32),
            pltpu.SemaphoreType.DMA,
            pltpu.SemaphoreType.DMA,
            pltpu.SemaphoreType.DMA,
        ],
    )(xs, ys, pe)


def kernel(coords, pe):
    xs = coords[:, 0].astype(jnp.int32)
    ys = coords[:, 1].astype(jnp.int32)
    return _pe_lookup(xs, ys, pe)

# --- scband reference (transcript-rebuilt; emitter-appended) ---
"""Pipeline reference for scband-positional-embedding-alt-47382079209895 (READ-ONLY COPY).

The authoritative reference and input builder live on the scoring server;
editing this copy changes nothing except your own understanding.
"""

import jax, jax.numpy as jnp
import numpy as np

EMBED_DIM = 128
MAX_LEN = 500
N = 16384

def _build_pe(embed_dim, max_len):
    position = jnp.arange(max_len, dtype=jnp.float32)[:, None]
    div_term = jnp.exp(jnp.arange(0, embed_dim, 2, dtype=jnp.float32) * (-np.log(10000.0) / embed_dim))
    pe = jnp.zeros((max_len, embed_dim), dtype=jnp.float32)
    pe = pe.at[:, 0::2].set(jnp.sin(position * div_term))
    pe = pe.at[:, 1::2].set(jnp.cos(position * div_term))
    return pe

def setup_inputs(seed: int = 0) -> dict:
    key = jax.random.key(seed)
    coords = jax.random.randint(key, (N, 2), 0, MAX_LEN)
    pe = _build_pe(EMBED_DIM, MAX_LEN)
    return {"coords": coords, "pe": pe}

def reference(coords, pe):
    x_embed = jnp.take(pe, coords[:, 0], axis=0)
    y_embed = jnp.take(pe, coords[:, 1], axis=0)
    return jnp.stack((y_embed, x_embed), axis=0).mean(axis=0)

if __name__ == "__main__":
    import jax
    _d = setup_inputs()
    print(jax.jit(kernel)(*tuple(_d.values())))

</pallas_src>

<mosaic_0001>
#map = affine_map<(d0, d1) -> (0)>
#map1 = affine_map<(d0, d1) -> (0, 0)>
module attributes {stable_mosaic.version = 14 : i64} {
  func.func @_sc_body(%arg0: i32, %arg1: i32, %arg2: memref<16384xi32, #tpu.memory_space<hbm>>, %arg3: memref<16384xi32, #tpu.memory_space<hbm>>, %arg4: memref<500x128xf32, #tpu.memory_space<hbm>>, %arg5: memref<16384x128xf32, #tpu.memory_space<hbm>>, %arg6: memref<500x128xf32, #tpu.memory_space<vmem_shared>>, %arg7: memref<512xi32, #tpu.memory_space<vmem>>, %arg8: memref<512xi32, #tpu.memory_space<vmem>>, %arg9: memref<32x128xf32, #tpu.memory_space<vmem>>, %arg10: memref<128x128xf32, #tpu.memory_space<vmem>>, %arg11: memref<128x128xf32, #tpu.memory_space<vmem>>, %arg12: memref<!tpu.dma_semaphore, #tpu.memory_space<semaphore_mem>>, %arg13: memref<!tpu.dma_semaphore, #tpu.memory_space<semaphore_mem>>, %arg14: memref<!tpu.dma_semaphore, #tpu.memory_space<semaphore_mem>>) attributes {dimension_semantics = [#tpu.dimension_semantics<core_parallel>, #tpu.dimension_semantics<subcore_parallel>], iteration_bounds = array<i64: 2, 16>, scalar_prefetch = 0 : i64, scratch_operands = 9 : i64, tpu.core_type = #tpu.core_type<sc_vector_subcore>, window_params = [{transform_indices = #map}, {transform_indices = #map}, {transform_indices = #map1}, {transform_indices = #map1}]} {
    %mul3A = arith.constant 2 : i32
    %mul3A_0 = arith.muli %arg1, %mul3A : i32
    %add3A = arith.addi %mul3A_0, %arg0 : i32
    %mul3A_1 = arith.constant 512 : i32
    %mul3A_2 = arith.muli %add3A, %mul3A_1 : i32
    %lt3A = arith.constant 15 : i32
    %lt3A_3 = arith.cmpi slt, %arg1, %lt3A : i32
    %convert_element_type3A = arith.extui %lt3A_3 : i1 to i32
    %cond3A = arith.constant 0 : i32
    %cond3A_4 = arith.cmpi ne, %convert_element_type3A, %cond3A : i32
    scf.if %cond3A_4 {
      %mul3A_127 = arith.constant 32 : i32
      %mul3A_128 = arith.muli %arg1, %mul3A_127 : i32
      %multiple_of3A = tpu.assume_multiple %mul3A_128, 32 : i32
      "tpu.region"() ({
        %run_scoped3A = tpu.sem_alloc : memref<!tpu.dma_semaphore, #tpu.memory_space<semaphore_mem>>
        %dma_start3A_133 = arith.constant 0 : i32
        %dma_start3A_134 = tpu.memref_slice %arg4[%multiple_of3A, %dma_start3A_133] : memref<500x128xf32, #tpu.memory_space<hbm>> -> memref<32x128xf32, #tpu.memory_space<hbm>>
        %dma_start3A_135 = arith.constant 0 : i32
        %dma_start3A_136 = tpu.memref_slice %arg4[%multiple_of3A, %dma_start3A_135] : memref<500x128xf32, #tpu.memory_space<hbm>> -> memref<32x128xf32, #tpu.memory_space<hbm>>
        tpu.enqueue_dma source(%dma_start3A_136 : memref<32x128xf32, #tpu.memory_space<hbm>>) target(%arg9 : memref<32x128xf32, #tpu.memory_space<vmem>>) target_semaphore(%run_scoped3A : memref<!tpu.dma_semaphore, #tpu.memory_space<semaphore_mem>>)
        %dma_wait3A_137 = arith.constant 0 : i32
        %dma_wait3A_138 = tpu.memref_slice %arg4[%multiple_of3A, %dma_wait3A_137] : memref<500x128xf32, #tpu.memory_space<hbm>> -> memref<32x128xf32, #tpu.memory_space<hbm>>
        %dma_wait3A_139 = arith.constant 0 : i32
        %dma_wait3A_140 = tpu.memref_slice %arg4[%multiple_of3A, %dma_wait3A_139] : memref<500x128xf32, #tpu.memory_space<hbm>> -> memref<32x128xf32, #tpu.memory_space<hbm>>
        tpu.wait_dma2 semaphore(%run_scoped3A : memref<!tpu.dma_semaphore, #tpu.memory_space<semaphore_mem>>) src(%dma_wait3A_140 : memref<32x128xf32, #tpu.memory_space<hbm>>) dst(%arg9 : memref<32x128xf32, #tpu.memory_space<vmem>>)
        tpu.yield
      }) : () -> ()
      %scan3A = arith.constant 0 : i32
      %scan3A_129 = arith.constant 32 : i32
      %scan3A_130 = arith.addi %scan3A, %scan3A_129 : i32
      %scan3A_131 = arith.constant 1 : i32
      scf.for %scan3A_133 = %scan3A to %scan3A_130 step %scan3A_131  : i32 {
        %get3A = arith.index_cast %scan3A_133 : i32 to index
        %get3A_134 = arith.constant 0 : index
        %get3A_135 = tpu.vector_load %arg9[%get3A, %get3A_134] {strides = array<i32>} : memref<32x128xf32, #tpu.memory_space<vmem>>, vector<1x16xf32>,
        %get3A_136 = vector.shape_cast %get3A_135 : vector<1x16xf32> to vector<16xf32>
        %mul3A_137 = arith.constant 5.000000e-01 : f32
        %mul3A_138 = vector.broadcast %mul3A_137 : f32 to vector<16xf32>
        %mul3A_139 = arith.mulf %get3A_136, %mul3A_138 : vector<16xf32>
        %swap3A = arith.index_cast %scan3A_133 : i32 to index
        %swap3A_140 = arith.constant 0 : index
        %swap3A_141 = tpu.vector_load %arg9[%swap3A, %swap3A_140] {strides = array<i32>} : memref<32x128xf32, #tpu.memory_space<vmem>>, vector<1x16xf32>,
        %swap3A_142 = vector.shape_cast %swap3A_141 : vector<1x16xf32> to vector<16xf32>
        %swap3A_143 = vector.shape_cast %mul3A_139 : vector<16xf32> to vector<1x16xf32>
        tpu.vector_store %arg9[%swap3A, %swap3A_140], %swap3A_143 {strides = array<i32>} : memref<32x128xf32, #tpu.memory_space<vmem>>, vector<1x16xf32>,
        %get3A_144 = arith.index_cast %scan3A_133 : i32 to index
        %get3A_145 = arith.constant 16 : index
        %get3A_146 = tpu.vector_load %arg9[%get3A_144, %get3A_145] {strides = array<i32>} : memref<32x128xf32, #tpu.memory_space<vmem>>, vector<1x16xf32>,
        %get3A_147 = vector.shape_cast %get3A_146 : vector<1x16xf32> to vector<16xf32>
        %mul3A_148 = arith.constant 5.000000e-01 : f32
        %mul3A_149 = vector.broadcast %mul3A_148 : f32 to vector<16xf32>
        %mul3A_150 = arith.mulf %get3A_147, %mul3A_149 : vector<16xf32>
        %swap3A_151 = arith.index_cast %scan3A_133 : i32 to index
        %swap3A_152 = arith.constant 16 : index
        %swap3A_153 = tpu.vector_load %arg9[%swap3A_151, %swap3A_152] {strides = array<i32>} : memref<32x128xf32, #tpu.memory_space<vmem>>, vector<1x16xf32>,
        %swap3A_154 = vector.shape_cast %swap3A_153 : vector<1x16xf32> to vector<16xf32>
        %swap3A_155 = vector.shape_cast %mul3A_150 : vector<16xf32> to vector<1x16xf32>
        tpu.vector_store %arg9[%swap3A_151, %swap3A_152], %swap3A_155 {strides = array<i32>} : memref<32x128xf32, #tpu.memory_space<vmem>>, vector<1x16xf32>,
        %get3A_156 = arith.index_cast %scan3A_133 : i32 to index
        %get3A_157 = arith.constant 32 : index
        %get3A_158 = tpu.vector_load %arg9[%get3A_156, %get3A_157] {strides = array<i32>} : memref<32x128xf32, #tpu.memory_space<vmem>>, vector<1x16xf32>,
        %get3A_159 = vector.shape_cast %get3A_158 : vector<1x16xf32> to vector<16xf32>
        %mul3A_160 = arith.constant 5.000000e-01 : f32
        %mul3A_161 = vector.broadcast %mul3A_160 : f32 to vector<16xf32>
        %mul3A_162 = arith.mulf %get3A_159, %mul3A_161 : vector<16xf32>
        %swap3A_163 = arith.index_cast %scan3A_133 : i32 to index
        %swap3A_164 = arith.constant 32 : index
        %swap3A_165 = tpu.vector_load %arg9[%swap3A_163, %swap3A_164] {strides = array<i32>} : memref<32x128xf32, #tpu.memory_space<vmem>>, vector<1x16xf32>,
        %swap3A_166 = vector.shape_cast %swap3A_165 : vector<1x16xf32> to vector<16xf32>
        %swap3A_167 = vector.shape_cast %mul3A_162 : vector<16xf32> to vector<1x16xf32>
        tpu.vector_store %arg9[%swap3A_163, %swap3A_164], %swap3A_167 {strides = array<i32>} : memref<32x128xf32, #tpu.memory_space<vmem>>, vector<1x16xf32>,
        %get3A_168 = arith.index_cast %scan3A_133 : i32 to index
        %get3A_169 = arith.constant 48 : index
        %get3A_170 = tpu.vector_load %arg9[%get3A_168, %get3A_169] {strides = array<i32>} : memref<32x128xf32, #tpu.memory_space<vmem>>, vector<1x16xf32>,
        %get3A_171 = vector.shape_cast %get3A_170 : vector<1x16xf32> to vector<16xf32>
        %mul3A_172 = arith.constant 5.000000e-01 : f32
        %mul3A_173 = vector.broadcast %mul3A_172 : f32 to vector<16xf32>
        %mul3A_174 = arith.mulf %get3A_171, %mul3A_173 : vector<16xf32>
        %swap3A_175 = arith.index_cast %scan3A_133 : i32 to index
        %swap3A_176 = arith.constant 48 : index
        %swap3A_177 = tpu.vector_load %arg9[%swap3A_175, %swap3A_176] {strides = array<i32>} : memref<32x128xf32, #tpu.memory_space<vmem>>, vector<1x16xf32>,
        %swap3A_178 = vector.shape_cast %swap3A_177 : vector<1x16xf32> to vector<16xf32>
        %swap3A_179 = vector.shape_cast %mul3A_174 : vector<16xf32> to vector<1x16xf32>
        tpu.vector_store %arg9[%swap3A_175, %swap3A_176], %swap3A_179 {strides = array<i32>} : memref<32x128xf32, #tpu.memory_space<vmem>>, vector<1x16xf32>,
        %get3A_180 = arith.index_cast %scan3A_133 : i32 to index
        %get3A_181 = arith.constant 64 : index
        %get3A_182 = tpu.vector_load %arg9[%get3A_180, %get3A_181] {strides = array<i32>} : memref<32x128xf32, #tpu.memory_space<vmem>>, vector<1x16xf32>,
        %get3A_183 = vector.shape_cast %get3A_182 : vector<1x16xf32> to vector<16xf32>
        %mul3A_184 = arith.constant 5.000000e-01 : f32
        %mul3A_185 = vector.broadcast %mul3A_184 : f32 to vector<16xf32>
        %mul3A_186 = arith.mulf %get3A_183, %mul3A_185 : vector<16xf32>
        %swap3A_187 = arith.index_cast %scan3A_133 : i32 to index
        %swap3A_188 = arith.constant 64 : index
        %swap3A_189 = tpu.vector_load %arg9[%swap3A_187, %swap3A_188] {strides = array<i32>} : memref<32x128xf32, #tpu.memory_space<vmem>>, vector<1x16xf32>,
        %swap3A_190 = vector.shape_cast %swap3A_189 : vector<1x16xf32> to vector<16xf32>
        %swap3A_191 = vector.shape_cast %mul3A_186 : vector<16xf32> to vector<1x16xf32>
        tpu.vector_store %arg9[%swap3A_187, %swap3A_188], %swap3A_191 {strides = array<i32>} : memref<32x128xf32, #tpu.memory_space<vmem>>, vector<1x16xf32>,
        %get3A_192 = arith.index_cast %scan3A_133 : i32 to index
        %get3A_193 = arith.constant 80 : index
        %get3A_194 = tpu.vector_load %arg9[%get3A_192, %get3A_193] {strides = array<i32>} : memref<32x128xf32, #tpu.memory_space<vmem>>, vector<1x16xf32>,
        %get3A_195 = vector.shape_cast %get3A_194 : vector<1x16xf32> to vector<16xf32>
        %mul3A_196 = arith.constant 5.000000e-01 : f32
        %mul3A_197 = vector.broadcast %mul3A_196 : f32 to vector<16xf32>
        %mul3A_198 = arith.mulf %get3A_195, %mul3A_197 : vector<16xf32>
        %swap3A_199 = arith.index_cast %scan3A_133 : i32 to index
        %swap3A_200 = arith.constant 80 : index
        %swap3A_201 = tpu.vector_load %arg9[%swap3A_199, %swap3A_200] {strides = array<i32>} : memref<32x128xf32, #tpu.memory_space<vmem>>, vector<1x16xf32>,
        %swap3A_202 = vector.shape_cast %swap3A_201 : vector<1x16xf32> to vector<16xf32>
        %swap3A_203 = vector.shape_cast %mul3A_198 : vector<16xf32> to vector<1x16xf32>
        tpu.vector_store %arg9[%swap3A_199, %swap3A_200], %swap3A_203 {strides = array<i32>} : memref<32x128xf32, #tpu.memory_space<vmem>>, vector<1x16xf32>,
        %get3A_204 = arith.index_cast %scan3A_133 : i32 to index
        %get3A_205 = arith.constant 96 : index
        %get3A_206 = tpu.vector_load %arg9[%get3A_204, %get3A_205] {strides = array<i32>} : memref<32x128xf32, #tpu.memory_space<vmem>>, vector<1x16xf32>,
        %get3A_207 = vector.shape_cast %get3A_206 : vector<1x16xf32> to vector<16xf32>
        %mul3A_208 = arith.constant 5.000000e-01 : f32
        %mul3A_209 = vector.broadcast %mul3A_208 : f32 to vector<16xf32>
        %mul3A_210 = arith.mulf %get3A_207, %mul3A_209 : vector<16xf32>
        %swap3A_211 = arith.index_cast %scan3A_133 : i32 to index
        %swap3A_212 = arith.constant 96 : index
        %swap3A_213 = tpu.vector_load %arg9[%swap3A_211, %swap3A_212] {strides = array<i32>} : memref<32x128xf32, #tpu.memory_space<vmem>>, vector<1x16xf32>,
        %swap3A_214 = vector.shape_cast %swap3A_213 : vector<1x16xf32> to vector<16xf32>
        %swap3A_215 = vector.shape_cast %mul3A_210 : vector<16xf32> to vector<1x16xf32>
        tpu.vector_store %arg9[%swap3A_211, %swap3A_212], %swap3A_215 {strides = array<i32>} : memref<32x128xf32, #tpu.memory_space<vmem>>, vector<1x16xf32>,
        %get3A_216 = arith.index_cast %scan3A_133 : i32 to index
        %get3A_217 = arith.constant 112 : index
        %get3A_218 = tpu.vector_load %arg9[%get3A_216, %get3A_217] {strides = array<i32>} : memref<32x128xf32, #tpu.memory_space<vmem>>, vector<1x16xf32>,
        %get3A_219 = vector.shape_cast %get3A_218 : vector<1x16xf32> to vector<16xf32>
        %mul3A_220 = arith.constant 5.000000e-01 : f32
        %mul3A_221 = vector.broadcast %mul3A_220 : f32 to vector<16xf32>
        %mul3A_222 = arith.mulf %get3A_219, %mul3A_221 : vector<16xf32>
        %swap3A_223 = arith.index_cast %scan3A_133 : i32 to index
        %swap3A_224 = arith.constant 112 : index
        %swap3A_225 = tpu.vector_load %arg9[%swap3A_223, %swap3A_224] {strides = array<i32>} : memref<32x128xf32, #tpu.memory_space<vmem>>, vector<1x16xf32>,
        %swap3A_226 = vector.shape_cast %swap3A_225 : vector<1x16xf32> to vector<16xf32>
        %swap3A_227 = vector.shape_cast %mul3A_222 : vector<16xf32> to vector<1x16xf32>
        tpu.vector_store %arg9[%swap3A_223, %swap3A_224], %swap3A_227 {strides = array<i32>} : memref<32x128xf32, #tpu.memory_space<vmem>>, vector<1x16xf32>,
      }
      %scan3A_132 = arith.constant 32 : i32
      "tpu.region"() ({
        %run_scoped3A = tpu.sem_alloc : memref<!tpu.dma_semaphore, #tpu.memory_space<semaphore_mem>>
        %dma_start3A_133 = arith.constant 0 : i32
        %dma_start3A_134 = tpu.memref_slice %arg6[%multiple_of3A, %dma_start3A_133] : memref<500x128xf32, #tpu.memory_space<vmem_shared>> -> memref<32x128xf32, #tpu.memory_space<vmem_shared>>
        %dma_start3A_135 = arith.constant 0 : i32
        %dma_start3A_136 = tpu.memref_slice %arg6[%multiple_of3A, %dma_start3A_135] : memref<500x128xf32, #tpu.memory_space<vmem_shared>> -> memref<32x128xf32, #tpu.memory_space<vmem_shared>>
        tpu.enqueue_dma source(%arg9 : memref<32x128xf32, #tpu.memory_space<vmem>>) target(%dma_start3A_136 : memref<32x128xf32, #tpu.memory_space<vmem_shared>>) target_semaphore(%run_scoped3A : memref<!tpu.dma_semaphore, #tpu.memory_space<semaphore_mem>>)
        %dma_wait3A_137 = arith.constant 0 : i32
        %dma_wait3A_138 = tpu.memref_slice %arg6[%multiple_of3A, %dma_wait3A_137] : memref<500x128xf32, #tpu.memory_space<vmem_shared>> -> memref<32x128xf32, #tpu.memory_space<vmem_shared>>
        %dma_wait3A_139 = arith.constant 0 : i32
        %dma_wait3A_140 = tpu.memref_slice %arg6[%multiple_of3A, %dma_wait3A_139] : memref<500x128xf32, #tpu.memory_space<vmem_shared>> -> memref<32x128xf32, #tpu.memory_space<vmem_shared>>
        tpu.wait_dma2 semaphore(%run_scoped3A : memref<!tpu.dma_semaphore, #tpu.memory_space<semaphore_mem>>) src(%arg9 : memref<32x128xf32, #tpu.memory_space<vmem>>) dst(%dma_wait3A_140 : memref<32x128xf32, #tpu.memory_space<vmem_shared>>)
        tpu.yield
      }) : () -> ()
    } else {
    }
    %eq3A = arith.constant 15 : i32
    %eq3A_5 = arith.cmpi eq, %arg1, %eq3A : i32
    %convert_element_type3A_6 = arith.extui %eq3A_5 : i1 to i32
    %cond3A_7 = arith.constant 0 : i32
    %cond3A_8 = arith.cmpi ne, %convert_element_type3A_6, %cond3A_7 : i32
    scf.if %cond3A_8 {
      "tpu.region"() ({
        %run_scoped3A = tpu.sem_alloc : memref<!tpu.dma_semaphore, #tpu.memory_space<semaphore_mem>>
        %dma_start3A_131 = arith.constant 0 : i32
        %dma_start3A_132 = arith.constant 0 : i32
        %dma_start3A_133 = tpu.memref_slice %arg9[%dma_start3A_131, %dma_start3A_132] : memref<32x128xf32, #tpu.memory_space<vmem>> -> memref<20x128xf32, #tpu.memory_space<vmem>>
        %dma_start3A_134 = arith.constant 480 : i32
        %dma_start3A_135 = arith.constant 0 : i32
        %dma_start3A_136 = tpu.memref_slice %arg4[%dma_start3A_134, %dma_start3A_135] : memref<500x128xf32, #tpu.memory_space<hbm>> -> memref<20x128xf32, #tpu.memory_space<hbm>>
        %dma_start3A_137 = arith.constant 0 : i32
        %dma_start3A_138 = arith.constant 0 : i32
        %dma_start3A_139 = tpu.memref_slice %arg9[%dma_start3A_137, %dma_start3A_138] : memref<32x128xf32, #tpu.memory_space<vmem>> -> memref<20x128xf32, #tpu.memory_space<vmem>>
        %dma_start3A_140 = arith.constant 480 : i32
        %dma_start3A_141 = arith.constant 0 : i32
        %dma_start3A_142 = tpu.memref_slice %arg4[%dma_start3A_140, %dma_start3A_141] : memref<500x128xf32, #tpu.memory_space<hbm>> -> memref<20x128xf32, #tpu.memory_space<hbm>>
        tpu.enqueue_dma source(%dma_start3A_142 : memref<20x128xf32, #tpu.memory_space<hbm>>) target(%dma_start3A_139 : memref<20x128xf32, #tpu.memory_space<vmem>>) target_semaphore(%run_scoped3A : memref<!tpu.dma_semaphore, #tpu.memory_space<semaphore_mem>>)
        %dma_wait3A_143 = arith.constant 0 : i32
        %dma_wait3A_144 = arith.constant 0 : i32
        %dma_wait3A_145 = tpu.memref_slice %arg9[%dma_wait3A_143, %dma_wait3A_144] : memref<32x128xf32, #tpu.memory_space<vmem>> -> memref<20x128xf32, #tpu.memory_space<vmem>>
        %dma_wait3A_146 = arith.constant 480 : i32
        %dma_wait3A_147 = arith.constant 0 : i32
        %dma_wait3A_148 = tpu.memref_slice %arg4[%dma_wait3A_146, %dma_wait3A_147] : memref<500x128xf32, #tpu.memory_space<hbm>> -> memref<20x128xf32, #tpu.memory_space<hbm>>
        %dma_wait3A_149 = arith.constant 0 : i32
        %dma_wait3A_150 = arith.constant 0 : i32
        %dma_wait3A_151 = tpu.memref_slice %arg9[%dma_wait3A_149, %dma_wait3A_150] : memref<32x128xf32, #tpu.memory_space<vmem>> -> memref<20x128xf32, #tpu.memory_space<vmem>>
        %dma_wait3A_152 = arith.constant 480 : i32
        %dma_wait3A_153 = arith.constant 0 : i32
        %dma_wait3A_154 = tpu.memref_slice %arg4[%dma_wait3A_152, %dma_wait3A_153] : memref<500x128xf32, #tpu.memory_space<hbm>> -> memref<20x128xf32, #tpu.memory_space<hbm>>
        tpu.wait_dma2 semaphore(%run_scoped3A : memref<!tpu.dma_semaphore, #tpu.memory_space<semaphore_mem>>) src(%dma_wait3A_154 : memref<20x128xf32, #tpu.memory_space<hbm>>) dst(%dma_wait3A_151 : memref<20x128xf32, #tpu.memory_space<vmem>>)
        tpu.yield
      }) : () -> ()
      %scan3A = arith.constant 0 : i32
      %scan3A_127 = arith.constant 20 : i32
      %scan3A_128 = arith.addi %scan3A, %scan3A_127 : i32
      %scan3A_129 = arith.constant 1 : i32
      scf.for %scan3A_131 = %scan3A to %scan3A_128 step %scan3A_129  : i32 {
        %get3A = arith.index_cast %scan3A_131 : i32 to index
        %get3A_132 = arith.constant 0 : index
        %get3A_133 = tpu.vector_load %arg9[%get3A, %get3A_132] {strides = array<i32>} : memref<32x128xf32, #tpu.memory_space<vmem>>, vector<1x16xf32>,
        %get3A_134 = vector.shape_cast %get3A_133 : vector<1x16xf32> to vector<16xf32>
        %mul3A_135 = arith.constant 5.000000e-01 : f32
        %mul3A_136 = vector.broadcast %mul3A_135 : f32 to vector<16xf32>
        %mul3A_137 = arith.mulf %get3A_134, %mul3A_136 : vector<16xf32>
        %swap3A = arith.index_cast %scan3A_131 : i32 to index
        %swap3A_138 = arith.constant 0 : index
        %swap3A_139 = tpu.vector_load %arg9[%swap3A, %swap3A_138] {strides = array<i32>} : memref<32x128xf32, #tpu.memory_space<vmem>>, vector<1x16xf32>,
        %swap3A_140 = vector.shape_cast %swap3A_139 : vector<1x16xf32> to vector<16xf32>
        %swap3A_141 = vector.shape_cast %mul3A_137 : vector<16xf32> to vector<1x16xf32>
        tpu.vector_store %arg9[%swap3A, %swap3A_138], %swap3A_141 {strides = array<i32>} : memref<32x128xf32, #tpu.memory_space<vmem>>, vector<1x16xf32>,
        %get3A_142 = arith.index_cast %scan3A_131 : i32 to index
        %get3A_143 = arith.constant 16 : index
        %get3A_144 = tpu.vector_load %arg9[%get3A_142, %get3A_143] {strides = array<i32>} : memref<32x128xf32, #tpu.memory_space<vmem>>, vector<1x16xf32>,
        %get3A_145 = vector.shape_cast %get3A_144 : vector<1x16xf32> to vector<16xf32>
        %mul3A_146 = arith.constant 5.000000e-01 : f32
        %mul3A_147 = vector.broadcast %mul3A_146 : f32 to vector<16xf32>
        %mul3A_148 = arith.mulf %get3A_145, %mul3A_147 : vector<16xf32>
        %swap3A_149 = arith.index_cast %scan3A_131 : i32 to index
        %swap3A_150 = arith.constant 16 : index
        %swap3A_151 = tpu.vector_load %arg9[%swap3A_149, %swap3A_150] {strides = array<i32>} : memref<32x128xf32, #tpu.memory_space<vmem>>, vector<1x16xf32>,
        %swap3A_152 = vector.shape_cast %swap3A_151 : vector<1x16xf32> to vector<16xf32>
        %swap3A_153 = vector.shape_cast %mul3A_148 : vector<16xf32> to vector<1x16xf32>
        tpu.vector_store %arg9[%swap3A_149, %swap3A_150], %swap3A_153 {strides = array<i32>} : memref<32x128xf32, #tpu.memory_space<vmem>>, vector<1x16xf32>,
        %get3A_154 = arith.index_cast %scan3A_131 : i32 to index
        %get3A_155 = arith.constant 32 : index
        %get3A_156 = tpu.vector_load %arg9[%get3A_154, %get3A_155] {strides = array<i32>} : memref<32x128xf32, #tpu.memory_space<vmem>>, vector<1x16xf32>,
        %get3A_157 = vector.shape_cast %get3A_156 : vector<1x16xf32> to vector<16xf32>
        %mul3A_158 = arith.constant 5.000000e-01 : f32
        %mul3A_159 = vector.broadcast %mul3A_158 : f32 to vector<16xf32>
        %mul3A_160 = arith.mulf %get3A_157, %mul3A_159 : vector<16xf32>
        %swap3A_161 = arith.index_cast %scan3A_131 : i32 to index
        %swap3A_162 = arith.constant 32 : index
        %swap3A_163 = tpu.vector_load %arg9[%swap3A_161, %swap3A_162] {strides = array<i32>} : memref<32x128xf32, #tpu.memory_space<vmem>>, vector<1x16xf32>,
        %swap3A_164 = vector.shape_cast %swap3A_163 : vector<1x16xf32> to vector<16xf32>
        %swap3A_165 = vector.shape_cast %mul3A_160 : vector<16xf32> to vector<1x16xf32>
        tpu.vector_store %arg9[%swap3A_161, %swap3A_162], %swap3A_165 {strides = array<i32>} : memref<32x128xf32, #tpu.memory_space<vmem>>, vector<1x16xf32>,
        %get3A_166 = arith.index_cast %scan3A_131 : i32 to index
        %get3A_167 = arith.constant 48 : index
        %get3A_168 = tpu.vector_load %arg9[%get3A_166, %get3A_167] {strides = array<i32>} : memref<32x128xf32, #tpu.memory_space<vmem>>, vector<1x16xf32>,
        %get3A_169 = vector.shape_cast %get3A_168 : vector<1x16xf32> to vector<16xf32>
        %mul3A_170 = arith.constant 5.000000e-01 : f32
        %mul3A_171 = vector.broadcast %mul3A_170 : f32 to vector<16xf32>
        %mul3A_172 = arith.mulf %get3A_169, %mul3A_171 : vector<16xf32>
        %swap3A_173 = arith.index_cast %scan3A_131 : i32 to index
        %swap3A_174 = arith.constant 48 : index
        %swap3A_175 = tpu.vector_load %arg9[%swap3A_173, %swap3A_174] {strides = array<i32>} : memref<32x128xf32, #tpu.memory_space<vmem>>, vector<1x16xf32>,
        %swap3A_176 = vector.shape_cast %swap3A_175 : vector<1x16xf32> to vector<16xf32>
        %swap3A_177 = vector.shape_cast %mul3A_172 : vector<16xf32> to vector<1x16xf32>
        tpu.vector_store %arg9[%swap3A_173, %swap3A_174], %swap3A_177 {strides = array<i32>} : memref<32x128xf32, #tpu.memory_space<vmem>>, vector<1x16xf32>,
        %get3A_178 = arith.index_cast %scan3A_131 : i32 to index
        %get3A_179 = arith.constant 64 : index
        %get3A_180 = tpu.vector_load %arg9[%get3A_178, %get3A_179] {strides = array<i32>} : memref<32x128xf32, #tpu.memory_space<vmem>>, vector<1x16xf32>,
        %get3A_181 = vector.shape_cast %get3A_180 : vector<1x16xf32> to vector<16xf32>
        %mul3A_182 = arith.constant 5.000000e-01 : f32
        %mul3A_183 = vector.broadcast %mul3A_182 : f32 to vector<16xf32>
        %mul3A_184 = arith.mulf %get3A_181, %mul3A_183 : vector<16xf32>
        %swap3A_185 = arith.index_cast %scan3A_131 : i32 to index
        %swap3A_186 = arith.constant 64 : index
        %swap3A_187 = tpu.vector_load %arg9[%swap3A_185, %swap3A_186] {strides = array<i32>} : memref<32x128xf32, #tpu.memory_space<vmem>>, vector<1x16xf32>,
        %swap3A_188 = vector.shape_cast %swap3A_187 : vector<1x16xf32> to vector<16xf32>
        %swap3A_189 = vector.shape_cast %mul3A_184 : vector<16xf32> to vector<1x16xf32>
        tpu.vector_store %arg9[%swap3A_185, %swap3A_186], %swap3A_189 {strides = array<i32>} : memref<32x128xf32, #tpu.memory_space<vmem>>, vector<1x16xf32>,
        %get3A_190 = arith.index_cast %scan3A_131 : i32 to index
        %get3A_191 = arith.constant 80 : index
        %get3A_192 = tpu.vector_load %arg9[%get3A_190, %get3A_191] {strides = array<i32>} : memref<32x128xf32, #tpu.memory_space<vmem>>, vector<1x16xf32>,
        %get3A_193 = vector.shape_cast %get3A_192 : vector<1x16xf32> to vector<16xf32>
        %mul3A_194 = arith.constant 5.000000e-01 : f32
        %mul3A_195 = vector.broadcast %mul3A_194 : f32 to vector<16xf32>
        %mul3A_196 = arith.mulf %get3A_193, %mul3A_195 : vector<16xf32>
        %swap3A_197 = arith.index_cast %scan3A_131 : i32 to index
        %swap3A_198 = arith.constant 80 : index
        %swap3A_199 = tpu.vector_load %arg9[%swap3A_197, %swap3A_198] {strides = array<i32>} : memref<32x128xf32, #tpu.memory_space<vmem>>, vector<1x16xf32>,
        %swap3A_200 = vector.shape_cast %swap3A_199 : vector<1x16xf32> to vector<16xf32>
        %swap3A_201 = vector.shape_cast %mul3A_196 : vector<16xf32> to vector<1x16xf32>
        tpu.vector_store %arg9[%swap3A_197, %swap3A_198], %swap3A_201 {strides = array<i32>} : memref<32x128xf32, #tpu.memory_space<vmem>>, vector<1x16xf32>,
        %get3A_202 = arith.index_cast %scan3A_131 : i32 to index
        %get3A_203 = arith.constant 96 : index
        %get3A_204 = tpu.vector_load %arg9[%get3A_202, %get3A_203] {strides = array<i32>} : memref<32x128xf32, #tpu.memory_space<vmem>>, vector<1x16xf32>,
        %get3A_205 = vector.shape_cast %get3A_204 : vector<1x16xf32> to vector<16xf32>
        %mul3A_206 = arith.constant 5.000000e-01 : f32
        %mul3A_207 = vector.broadcast %mul3A_206 : f32 to vector<16xf32>
        %mul3A_208 = arith.mulf %get3A_205, %mul3A_207 : vector<16xf32>
        %swap3A_209 = arith.index_cast %scan3A_131 : i32 to index
        %swap3A_210 = arith.constant 96 : index
        %swap3A_211 = tpu.vector_load %arg9[%swap3A_209, %swap3A_210] {strides = array<i32>} : memref<32x128xf32, #tpu.memory_space<vmem>>, vector<1x16xf32>,
        %swap3A_212 = vector.shape_cast %swap3A_211 : vector<1x16xf32> to vector<16xf32>
        %swap3A_213 = vector.shape_cast %mul3A_208 : vector<16xf32> to vector<1x16xf32>
        tpu.vector_store %arg9[%swap3A_209, %swap3A_210], %swap3A_213 {strides = array<i32>} : memref<32x128xf32, #tpu.memory_space<vmem>>, vector<1x16xf32>,
        %get3A_214 = arith.index_cast %scan3A_131 : i32 to index
        %get3A_215 = arith.constant 112 : index
        %get3A_216 = tpu.vector_load %arg9[%get3A_214, %get3A_215] {strides = array<i32>} : memref<32x128xf32, #tpu.memory_space<vmem>>, vector<1x16xf32>,
        %get3A_217 = vector.shape_cast %get3A_216 : vector<1x16xf32> to vector<16xf32>
        %mul3A_218 = arith.constant 5.000000e-01 : f32
        %mul3A_219 = vector.broadcast %mul3A_218 : f32 to vector<16xf32>
        %mul3A_220 = arith.mulf %get3A_217, %mul3A_219 : vector<16xf32>
        %swap3A_221 = arith.index_cast %scan3A_131 : i32 to index
        %swap3A_222 = arith.constant 112 : index
        %swap3A_223 = tpu.vector_load %arg9[%swap3A_221, %swap3A_222] {strides = array<i32>} : memref<32x128xf32, #tpu.memory_space<vmem>>, vector<1x16xf32>,
        %swap3A_224 = vector.shape_cast %swap3A_223 : vector<1x16xf32> to vector<16xf32>
        %swap3A_225 = vector.shape_cast %mul3A_220 : vector<16xf32> to vector<1x16xf32>
        tpu.vector_store %arg9[%swap3A_221, %swap3A_222], %swap3A_225 {strides = array<i32>} : memref<32x128xf32, #tpu.memory_space<vmem>>, vector<1x16xf32>,
      }
      %scan3A_130 = arith.constant 20 : i32
      "tpu.region"() ({
        %run_scoped3A = tpu.sem_alloc : memref<!tpu.dma_semaphore, #tpu.memory_space<semaphore_mem>>
        %dma_start3A_131 = arith.constant 0 : i32
        %dma_start3A_132 = arith.constant 0 : i32
        %dma_start3A_133 = tpu.memref_slice %arg9[%dma_start3A_131, %dma_start3A_132] : memref<32x128xf32, #tpu.memory_space<vmem>> -> memref<20x128xf32, #tpu.memory_space<vmem>>
        %dma_start3A_134 = arith.constant 480 : i32
        %dma_start3A_135 = arith.constant 0 : i32
        %dma_start3A_136 = tpu.memref_slice %arg6[%dma_start3A_134, %dma_start3A_135] : memref<500x128xf32, #tpu.memory_space<vmem_shared>> -> memref<20x128xf32, #tpu.memory_space<vmem_shared>>
        %dma_start3A_137 = arith.constant 480 : i32
        %dma_start3A_138 = arith.constant 0 : i32
        %dma_start3A_139 = tpu.memref_slice %arg6[%dma_start3A_137, %dma_start3A_138] : memref<500x128xf32, #tpu.memory_space<vmem_shared>> -> memref<20x128xf32, #tpu.memory_space<vmem_shared>>
        %dma_start3A_140 = arith.constant 0 : i32
        %dma_start3A_141 = arith.constant 0 : i32
        %dma_start3A_142 = tpu.memref_slice %arg9[%dma_start3A_140, %dma_start3A_141] : memref<32x128xf32, #tpu.memory_space<vmem>> -> memref<20x128xf32, #tpu.memory_space<vmem>>
        tpu.enqueue_dma source(%dma_start3A_142 : memref<20x128xf32, #tpu.memory_space<vmem>>) target(%dma_start3A_139 : memref<20x128xf32, #tpu.memory_space<vmem_shared>>) target_semaphore(%run_scoped3A : memref<!tpu.dma_semaphore, #tpu.memory_space<semaphore_mem>>)
        %dma_wait3A_143 = arith.constant 0 : i32
        %dma_wait3A_144 = arith.constant 0 : i32
        %dma_wait3A_145 = tpu.memref_slice %arg9[%dma_wait3A_143, %dma_wait3A_144] : memref<32x128xf32, #tpu.memory_space<vmem>> -> memref<20x128xf32, #tpu.memory_space<vmem>>
        %dma_wait3A_146 = arith.constant 480 : i32
        %dma_wait3A_147 = arith.constant 0 : i32
        %dma_wait3A_148 = tpu.memref_slice %arg6[%dma_wait3A_146, %dma_wait3A_147] : memref<500x128xf32, #tpu.memory_space<vmem_shared>> -> memref<20x128xf32, #tpu.memory_space<vmem_shared>>
        %dma_wait3A_149 = arith.constant 480 : i32
        %dma_wait3A_150 = arith.constant 0 : i32
        %dma_wait3A_151 = tpu.memref_slice %arg6[%dma_wait3A_149, %dma_wait3A_150] : memref<500x128xf32, #tpu.memory_space<vmem_shared>> -> memref<20x128xf32, #tpu.memory_space<vmem_shared>>
        %dma_wait3A_152 = arith.constant 0 : i32
        %dma_wait3A_153 = arith.constant 0 : i32
        %dma_wait3A_154 = tpu.memref_slice %arg9[%dma_wait3A_152, %dma_wait3A_153] : memref<32x128xf32, #tpu.memory_space<vmem>> -> memref<20x128xf32, #tpu.memory_space<vmem>>
        tpu.wait_dma2 semaphore(%run_scoped3A : memref<!tpu.dma_semaphore, #tpu.memory_space<semaphore_mem>>) src(%dma_wait3A_154 : memref<20x128xf32, #tpu.memory_space<vmem>>) dst(%dma_wait3A_151 : memref<20x128xf32, #tpu.memory_space<vmem_shared>>)
        tpu.yield
      }) : () -> ()
    } else {
    }
    "tpu.region"() ({
      %run_scoped3A = tpu.sem_alloc : memref<!tpu.dma_semaphore, #tpu.memory_space<semaphore_mem>>
      %dma_start3A_127 = tpu.memref_slice %arg2[%mul3A_2] : memref<16384xi32, #tpu.memory_space<hbm>> -> memref<512xi32, #tpu.memory_space<hbm>>
      %dma_start3A_128 = tpu.memref_slice %arg2[%mul3A_2] : memref<16384xi32, #tpu.memory_space<hbm>> -> memref<512xi32, #tpu.memory_space<hbm>>
      tpu.enqueue_dma source(%dma_start3A_128 : memref<512xi32, #tpu.memory_space<hbm>>) target(%arg7 : memref<512xi32, #tpu.memory_space<vmem>>) target_semaphore(%run_scoped3A : memref<!tpu.dma_semaphore, #tpu.memory_space<semaphore_mem>>)
      %dma_wait3A_129 = tpu.memref_slice %arg2[%mul3A_2] : memref<16384xi32, #tpu.memory_space<hbm>> -> memref<512xi32, #tpu.memory_space<hbm>>
      %dma_wait3A_130 = tpu.memref_slice %arg2[%mul3A_2] : memref<16384xi32, #tpu.memory_space<hbm>> -> memref<512xi32, #tpu.memory_space<hbm>>
      tpu.wait_dma2 semaphore(%run_scoped3A : memref<!tpu.dma_semaphore, #tpu.memory_space<semaphore_mem>>) src(%dma_wait3A_130 : memref<512xi32, #tpu.memory_space<hbm>>) dst(%arg7 : memref<512xi32, #tpu.memory_space<vmem>>)
      tpu.yield
    }) : () -> ()
    "tpu.region"() ({
      %run_scoped3A = tpu.sem_alloc : memref<!tpu.dma_semaphore, #tpu.memory_space<semaphore_mem>>
      %dma_start3A_127 = tpu.memref_slice %arg3[%mul3A_2] : memref<16384xi32, #tpu.memory_space<hbm>> -> memref<512xi32, #tpu.memory_space<hbm>>
      %dma_start3A_128 = tpu.memref_slice %arg3[%mul3A_2] : memref<16384xi32, #tpu.memory_space<hbm>> -> memref<512xi32, #tpu.memory_space<hbm>>
      tpu.enqueue_dma source(%dma_start3A_128 : memref<512xi32, #tpu.memory_space<hbm>>) target(%arg8 : memref<512xi32, #tpu.memory_space<vmem>>) target_semaphore(%run_scoped3A : memref<!tpu.dma_semaphore, #tpu.memory_space<semaphore_mem>>)
      %dma_wait3A_129 = tpu.memref_slice %arg3[%mul3A_2] : memref<16384xi32, #tpu.memory_space<hbm>> -> memref<512xi32, #tpu.memory_space<hbm>>
      %dma_wait3A_130 = tpu.memref_slice %arg3[%mul3A_2] : memref<16384xi32, #tpu.memory_space<hbm>> -> memref<512xi32, #tpu.memory_space<hbm>>
      tpu.wait_dma2 semaphore(%run_scoped3A : memref<!tpu.dma_semaphore, #tpu.memory_space<semaphore_mem>>) src(%dma_wait3A_130 : memref<512xi32, #tpu.memory_space<hbm>>) dst(%arg8 : memref<512xi32, #tpu.memory_space<vmem>>)
      tpu.yield
    }) : () -> ()
    %barrier3A = arith.constant 0 : index
    tpu.barrier barrier_id(%barrier3A)
    %dma_start3A = arith.constant 0 : i32
    %dma_start3A_9 = tpu.memref_slice %arg7[%dma_start3A] : memref<512xi32, #tpu.memory_space<vmem>> -> memref<128xi32, #tpu.memory_space<vmem>>
    %dma_start3A_10 = arith.constant 0 : i32
    %dma_start3A_11 = arith.constant 0 : i32
    %dma_start3A_12 = tpu.memref_slice %arg6[%dma_start3A_10, %dma_start3A_11] : memref<500x128xf32, #tpu.memory_space<vmem_shared>> -> memref<500x128xf32, #tpu.memory_space<vmem_shared>>
    tpu.enqueue_indirect_dma source(%dma_start3A_12 : memref<500x128xf32, #tpu.memory_space<vmem_shared>>) target(%arg10 : memref<128x128xf32, #tpu.memory_space<vmem>>) offsets(%dma_start3A_9 : memref<128xi32, #tpu.memory_space<vmem>>) semaphore(%arg12 : memref<!tpu.dma_semaphore, #tpu.memory_space<semaphore_mem>>)
    %dma_wait3A = arith.constant 0 : i32
    %dma_wait3A_13 = tpu.memref_slice %arg7[%dma_wait3A] : memref<512xi32, #tpu.memory_space<vmem>> -> memref<128xi32, #tpu.memory_space<vmem>>
    %dma_wait3A_14 = arith.constant 0 : i32
    %dma_wait3A_15 = arith.constant 0 : i32
    %dma_wait3A_16 = tpu.memref_slice %arg6[%dma_wait3A_14, %dma_wait3A_15] : memref<500x128xf32, #tpu.memory_space<vmem_shared>> -> memref<500x128xf32, #tpu.memory_space<vmem_shared>>
    tpu.wait_indirect_dma semaphore(%arg12 : memref<!tpu.dma_semaphore, #tpu.memory_space<semaphore_mem>>) src(%dma_wait3A_16 : memref<500x128xf32, #tpu.memory_space<vmem_shared>>) dst(%arg10 : memref<128x128xf32, #tpu.memory_space<vmem>>)
    %dma_start3A_17 = arith.constant 0 : i32
    %dma_start3A_18 = tpu.memref_slice %arg8[%dma_start3A_17] : memref<512xi32, #tpu.memory_space<vmem>> -> memref<128xi32, #tpu.memory_space<vmem>>
    %dma_start3A_19 = arith.constant 0 : i32
    %dma_start3A_20 = arith.constant 0 : i32
    %dma_start3A_21 = tpu.memref_slice %arg6[%dma_start3A_19, %dma_start3A_20] : memref<500x128xf32, #tpu.memory_space<vmem_shared>> -> memref<500x128xf32, #tpu.memory_space<vmem_shared>>
    tpu.enqueue_indirect_dma source(%dma_start3A_21 : memref<500x128xf32, #tpu.memory_space<vmem_shared>>) target(%arg10 : memref<128x128xf32, #tpu.memory_space<vmem>>) offsets(%dma_start3A_18 : memref<128xi32, #tpu.memory_space<vmem>>) semaphore(%arg12 : memref<!tpu.dma_semaphore, #tpu.memory_space<semaphore_mem>>) {add = true}
    %dma_wait3A_22 = arith.constant 0 : i32
    %dma_wait3A_23 = tpu.memref_slice %arg8[%dma_wait3A_22] : memref<512xi32, #tpu.memory_space<vmem>> -> memref<128xi32, #tpu.memory_space<vmem>>
    %dma_wait3A_24 = arith.constant 0 : i32
    %dma_wait3A_25 = arith.constant 0 : i32
    %dma_wait3A_26 = tpu.memref_slice %arg6[%dma_wait3A_24, %dma_wait3A_25] : memref<500x128xf32, #tpu.memory_space<vmem_shared>> -> memref<500x128xf32, #tpu.memory_space<vmem_shared>>
    tpu.wait_indirect_dma semaphore(%arg12 : memref<!tpu.dma_semaphore, #tpu.memory_space<semaphore_mem>>) src(%dma_wait3A_26 : memref<500x128xf32, #tpu.memory_space<vmem_shared>>) dst(%arg10 : memref<128x128xf32, #tpu.memory_space<vmem>>)
    %add3A_27 = arith.constant 0 : i32
    %add3A_28 = arith.addi %mul3A_2, %add3A_27 : i32
    %dma_start3A_29 = arith.constant 0 : i32
    %dma_start3A_30 = tpu.memref_slice %arg5[%add3A_28, %dma_start3A_29] : memref<16384x128xf32, #tpu.memory_space<hbm>> -> memref<128x128xf32, #tpu.memory_space<hbm>>
    %dma_start3A_31 = arith.constant 0 : i32
    %dma_start3A_32 = tpu.memref_slice %arg5[%add3A_28, %dma_start3A_31] : memref<16384x128xf32, #tpu.memory_space<hbm>> -> memref<128x128xf32, #tpu.memory_space<hbm>>
    tpu.enqueue_dma source(%arg10 : memref<128x128xf32, #tpu.memory_space<vmem>>) target(%dma_start3A_32 : memref<128x128xf32, #tpu.memory_space<hbm>>) target_semaphore(%arg13 : memref<!tpu.dma_semaphore, #tpu.memory_space<semaphore_mem>>)
    %dma_start3A_33 = arith.constant 128 : i32
    %dma_start3A_34 = tpu.memref_slice %arg7[%dma_start3A_33] : memref<512xi32, #tpu.memory_space<vmem>> -> memref<128xi32, #tpu.memory_space<vmem>>
    %dma_start3A_35 = arith.constant 0 : i32
    %dma_start3A_36 = arith.constant 0 : i32
    %dma_start3A_37 = tpu.memref_slice %arg6[%dma_start3A_35, %dma_start3A_36] : memref<500x128xf32, #tpu.memory_space<vmem_shared>> -> memref<500x128xf32, #tpu.memory_space<vmem_shared>>
    tpu.enqueue_indirect_dma source(%dma_start3A_37 : memref<500x128xf32, #tpu.memory_space<vmem_shared>>) target(%arg11 : memref<128x128xf32, #tpu.memory_space<vmem>>) offsets(%dma_start3A_34 : memref<128xi32, #tpu.memory_space<vmem>>) semaphore(%arg12 : memref<!tpu.dma_semaphore, #tpu.memory_space<semaphore_mem>>)
    %dma_wait3A_38 = arith.constant 128 : i32
    %dma_wait3A_39 = tpu.memref_slice %arg7[%dma_wait3A_38] : memref<512xi32, #tpu.memory_space<vmem>> -> memref<128xi32, #tpu.memory_space<vmem>>
    %dma_wait3A_40 = arith.constant 0 : i32
    %dma_wait3A_41 = arith.constant 0 : i32
    %dma_wait3A_42 = tpu.memref_slice %arg6[%dma_wait3A_40, %dma_wait3A_41] : memref<500x128xf32, #tpu.memory_space<vmem_shared>> -> memref<500x128xf32, #tpu.memory_space<vmem_shared>>
    tpu.wait_indirect_dma semaphore(%arg12 : memref<!tpu.dma_semaphore, #tpu.memory_space<semaphore_mem>>) src(%dma_wait3A_42 : memref<500x128xf32, #tpu.memory_space<vmem_shared>>) dst(%arg11 : memref<128x128xf32, #tpu.memory_space<vmem>>)
    %dma_start3A_43 = arith.constant 128 : i32
    %dma_start3A_44 = tpu.memref_slice %arg8[%dma_start3A_43] : memref<512xi32, #tpu.memory_space<vmem>> -> memref<128xi32, #tpu.memory_space<vmem>>
    %dma_start3A_45 = arith.constant 0 : i32
    %dma_start3A_46 = arith.constant 0 : i32
    %dma_start3A_47 = tpu.memref_slice %arg6[%dma_start3A_45, %dma_start3A_46] : memref<500x128xf32, #tpu.memory_space<vmem_shared>> -> memref<500x128xf32, #tpu.memory_space<vmem_shared>>
    tpu.enqueue_indirect_dma source(%dma_start3A_47 : memref<500x128xf32, #tpu.memory_space<vmem_shared>>) target(%arg11 : memref<128x128xf32, #tpu.memory_space<vmem>>) offsets(%dma_start3A_44 : memref<128xi32, #tpu.memory_space<vmem>>) semaphore(%arg12 : memref<!tpu.dma_semaphore, #tpu.memory_space<semaphore_mem>>) {add = true}
    %dma_wait3A_48 = arith.constant 128 : i32
    %dma_wait3A_49 = tpu.memref_slice %arg8[%dma_wait3A_48] : memref<512xi32, #tpu.memory_space<vmem>> -> memref<128xi32, #tpu.memory_space<vmem>>
    %dma_wait3A_50 = arith.constant 0 : i32
    %dma_wait3A_51 = arith.constant 0 : i32
    %dma_wait3A_52 = tpu.memref_slice %arg6[%dma_wait3A_50, %dma_wait3A_51] : memref<500x128xf32, #tpu.memory_space<vmem_shared>> -> memref<500x128xf32, #tpu.memory_space<vmem_shared>>
    tpu.wait_indirect_dma semaphore(%arg12 : memref<!tpu.dma_semaphore, #tpu.memory_space<semaphore_mem>>) src(%dma_wait3A_52 : memref<500x128xf32, #tpu.memory_space<vmem_shared>>) dst(%arg11 : memref<128x128xf32, #tpu.memory_space<vmem>>)
    %add3A_53 = arith.constant 128 : i32
    %add3A_54 = arith.addi %mul3A_2, %add3A_53 : i32
    %dma_start3A_55 = arith.constant 0 : i32
    %dma_start3A_56 = tpu.memref_slice %arg5[%add3A_54, %dma_start3A_55] : memref<16384x128xf32, #tpu.memory_space<hbm>> -> memref<128x128xf32, #tpu.memory_space<hbm>>
    %dma_start3A_57 = arith.constant 0 : i32
    %dma_start3A_58 = tpu.memref_slice %arg5[%add3A_54, %dma_start3A_57] : memref<16384x128xf32, #tpu.memory_space<hbm>> -> memref<128x128xf32, #tpu.memory_space<hbm>>
    tpu.enqueue_dma source(%arg11 : memref<128x128xf32, #tpu.memory_space<vmem>>) target(%dma_start3A_58 : memref<128x128xf32, #tpu.memory_space<hbm>>) target_semaphore(%arg14 : memref<!tpu.dma_semaphore, #tpu.memory_space<semaphore_mem>>)
    %dma_wait3A_59 = arith.constant 0 : i32
    %dma_wait3A_60 = tpu.memref_slice %arg5[%add3A_28, %dma_wait3A_59] : memref<16384x128xf32, #tpu.memory_space<hbm>> -> memref<128x128xf32, #tpu.memory_space<hbm>>
    %dma_wait3A_61 = arith.constant 0 : i32
    %dma_wait3A_62 = tpu.memref_slice %arg5[%add3A_28, %dma_wait3A_61] : memref<16384x128xf32, #tpu.memory_space<hbm>> -> memref<128x128xf32, #tpu.memory_space<hbm>>
    tpu.wait_dma2 semaphore(%arg13 : memref<!tpu.dma_semaphore, #tpu.memory_space<semaphore_mem>>) src(%arg10 : memref<128x128xf32, #tpu.memory_space<vmem>>) dst(%dma_wait3A_62 : memref<128x128xf32, #tpu.memory_space<hbm>>)
    %dma_start3A_63 = arith.constant 256 : i32
    %dma_start3A_64 = tpu.memref_slice %arg7[%dma_start3A_63] : memref<512xi32, #tpu.memory_space<vmem>> -> memref<128xi32, #tpu.memory_space<vmem>>
    %dma_start3A_65 = arith.constant 0 : i32
    %dma_start3A_66 = arith.constant 0 : i32
    %dma_start3A_67 = tpu.memref_slice %arg6[%dma_start3A_65, %dma_start3A_66] : memref<500x128xf32, #tpu.memory_space<vmem_shared>> -> memref<500x128xf32, #tpu.memory_space<vmem_shared>>
    tpu.enqueue_indirect_dma source(%dma_start3A_67 : memref<500x128xf32, #tpu.memory_space<vmem_shared>>) target(%arg10 : memref<128x128xf32, #tpu.memory_space<vmem>>) offsets(%dma_start3A_64 : memref<128xi32, #tpu.memory_space<vmem>>) semaphore(%arg12 : memref<!tpu.dma_semaphore, #tpu.memory_space<semaphore_mem>>)
    %dma_wait3A_68 = arith.constant 256 : i32
    %dma_wait3A_69 = tpu.memref_slice %arg7[%dma_wait3A_68] : memref<512xi32, #tpu.memory_space<vmem>> -> memref<128xi32, #tpu.memory_space<vmem>>
    %dma_wait3A_70 = arith.constant 0 : i32
    %dma_wait3A_71 = arith.constant 0 : i32
    %dma_wait3A_72 = tpu.memref_slice %arg6[%dma_wait3A_70, %dma_wait3A_71] : memref<500x128xf32, #tpu.memory_space<vmem_shared>> -> memref<500x128xf32, #tpu.memory_space<vmem_shared>>
    tpu.wait_indirect_dma semaphore(%arg12 : memref<!tpu.dma_semaphore, #tpu.memory_space<semaphore_mem>>) src(%dma_wait3A_72 : memref<500x128xf32, #tpu.memory_space<vmem_shared>>) dst(%arg10 : memref<128x128xf32, #tpu.memory_space<vmem>>)
    %dma_start3A_73 = arith.constant 256 : i32
    %dma_start3A_74 = tpu.memref_slice %arg8[%dma_start3A_73] : memref<512xi32, #tpu.memory_space<vmem>> -> memref<128xi32, #tpu.memory_space<vmem>>
    %dma_start3A_75 = arith.constant 0 : i32
    %dma_start3A_76 = arith.constant 0 : i32
    %dma_start3A_77 = tpu.memref_slice %arg6[%dma_start3A_75, %dma_start3A_76] : memref<500x128xf32, #tpu.memory_space<vmem_shared>> -> memref<500x128xf32, #tpu.memory_space<vmem_shared>>
    tpu.enqueue_indirect_dma source(%dma_start3A_77 : memref<500x128xf32, #tpu.memory_space<vmem_shared>>) target(%arg10 : memref<128x128xf32, #tpu.memory_space<vmem>>) offsets(%dma_start3A_74 : memref<128xi32, #tpu.memory_space<vmem>>) semaphore(%arg12 : memref<!tpu.dma_semaphore, #tpu.memory_space<semaphore_mem>>) {add = true}
    %dma_wait3A_78 = arith.constant 256 : i32
    %dma_wait3A_79 = tpu.memref_slice %arg8[%dma_wait3A_78] : memref<512xi32, #tpu.memory_space<vmem>> -> memref<128xi32, #tpu.memory_space<vmem>>
    %dma_wait3A_80 = arith.constant 0 : i32
    %dma_wait3A_81 = arith.constant 0 : i32
    %dma_wait3A_82 = tpu.memref_slice %arg6[%dma_wait3A_80, %dma_wait3A_81] : memref<500x128xf32, #tpu.memory_space<vmem_shared>> -> memref<500x128xf32, #tpu.memory_space<vmem_shared>>
    tpu.wait_indirect_dma semaphore(%arg12 : memref<!tpu.dma_semaphore, #tpu.memory_space<semaphore_mem>>) src(%dma_wait3A_82 : memref<500x128xf32, #tpu.memory_space<vmem_shared>>) dst(%arg10 : memref<128x128xf32, #tpu.memory_space<vmem>>)
    %add3A_83 = arith.constant 256 : i32
    %add3A_84 = arith.addi %mul3A_2, %add3A_83 : i32
    %dma_start3A_85 = arith.constant 0 : i32
    %dma_start3A_86 = tpu.memref_slice %arg5[%add3A_84, %dma_start3A_85] : memref<16384x128xf32, #tpu.memory_space<hbm>> -> memref<128x128xf32, #tpu.memory_space<hbm>>
    %dma_start3A_87 = arith.constant 0 : i32
    %dma_start3A_88 = tpu.memref_slice %arg5[%add3A_84, %dma_start3A_87] : memref<16384x128xf32, #tpu.memory_space<hbm>> -> memref<128x128xf32, #tpu.memory_space<hbm>>
    tpu.enqueue_dma source(%arg10 : memref<128x128xf32, #tpu.memory_space<vmem>>) target(%dma_start3A_88 : memref<128x128xf32, #tpu.memory_space<hbm>>) target_semaphore(%arg13 : memref<!tpu.dma_semaphore, #tpu.memory_space<semaphore_mem>>)
    %dma_wait3A_89 = arith.constant 0 : i32
    %dma_wait3A_90 = tpu.memref_slice %arg5[%add3A_54, %dma_wait3A_89] : memref<16384x128xf32, #tpu.memory_space<hbm>> -> memref<128x128xf32, #tpu.memory_space<hbm>>
    %dma_wait3A_91 = arith.constant 0 : i32
    %dma_wait3A_92 = tpu.memref_slice %arg5[%add3A_54, %dma_wait3A_91] : memref<16384x128xf32, #tpu.memory_space<hbm>> -> memref<128x128xf32, #tpu.memory_space<hbm>>
    tpu.wait_dma2 semaphore(%arg14 : memref<!tpu.dma_semaphore, #tpu.memory_space<semaphore_mem>>) src(%arg11 : memref<128x128xf32, #tpu.memory_space<vmem>>) dst(%dma_wait3A_92 : memref<128x128xf32, #tpu.memory_space<hbm>>)
    %dma_start3A_93 = arith.constant 384 : i32
    %dma_start3A_94 = tpu.memref_slice %arg7[%dma_start3A_93] : memref<512xi32, #tpu.memory_space<vmem>> -> memref<128xi32, #tpu.memory_space<vmem>>
    %dma_start3A_95 = arith.constant 0 : i32
    %dma_start3A_96 = arith.constant 0 : i32
    %dma_start3A_97 = tpu.memref_slice %arg6[%dma_start3A_95, %dma_start3A_96] : memref<500x128xf32, #tpu.memory_space<vmem_shared>> -> memref<500x128xf32, #tpu.memory_space<vmem_shared>>
    tpu.enqueue_indirect_dma source(%dma_start3A_97 : memref<500x128xf32, #tpu.memory_space<vmem_shared>>) target(%arg11 : memref<128x128xf32, #tpu.memory_space<vmem>>) offsets(%dma_start3A_94 : memref<128xi32, #tpu.memory_space<vmem>>) semaphore(%arg12 : memref<!tpu.dma_semaphore, #tpu.memory_space<semaphore_mem>>)
    %dma_wait3A_98 = arith.constant 384 : i32
    %dma_wait3A_99 = tpu.memref_slice %arg7[%dma_wait3A_98] : memref<512xi32, #tpu.memory_space<vmem>> -> memref<128xi32, #tpu.memory_space<vmem>>
    %dma_wait3A_100 = arith.constant 0 : i32
    %dma_wait3A_101 = arith.constant 0 : i32
    %dma_wait3A_102 = tpu.memref_slice %arg6[%dma_wait3A_100, %dma_wait3A_101] : memref<500x128xf32, #tpu.memory_space<vmem_shared>> -> memref<500x128xf32, #tpu.memory_space<vmem_shared>>
    tpu.wait_indirect_dma semaphore(%arg12 : memref<!tpu.dma_semaphore, #tpu.memory_space<semaphore_mem>>) src(%dma_wait3A_102 : memref<500x128xf32, #tpu.memory_space<vmem_shared>>) dst(%arg11 : memref<128x128xf32, #tpu.memory_space<vmem>>)
    %dma_start3A_103 = arith.constant 384 : i32
    %dma_start3A_104 = tpu.memref_slice %arg8[%dma_start3A_103] : memref<512xi32, #tpu.memory_space<vmem>> -> memref<128xi32, #tpu.memory_space<vmem>>
    %dma_start3A_105 = arith.constant 0 : i32
    %dma_start3A_106 = arith.constant 0 : i32
    %dma_start3A_107 = tpu.memref_slice %arg6[%dma_start3A_105, %dma_start3A_106] : memref<500x128xf32, #tpu.memory_space<vmem_shared>> -> memref<500x128xf32, #tpu.memory_space<vmem_shared>>
    tpu.enqueue_indirect_dma source(%dma_start3A_107 : memref<500x128xf32, #tpu.memory_space<vmem_shared>>) target(%arg11 : memref<128x128xf32, #tpu.memory_space<vmem>>) offsets(%dma_start3A_104 : memref<128xi32, #tpu.memory_space<vmem>>) semaphore(%arg12 : memref<!tpu.dma_semaphore, #tpu.memory_space<semaphore_mem>>) {add = true}
    %dma_wait3A_108 = arith.constant 384 : i32
    %dma_wait3A_109 = tpu.memref_slice %arg8[%dma_wait3A_108] : memref<512xi32, #tpu.memory_space<vmem>> -> memref<128xi32, #tpu.memory_space<vmem>>
    %dma_wait3A_110 = arith.constant 0 : i32
    %dma_wait3A_111 = arith.constant 0 : i32
    %dma_wait3A_112 = tpu.memref_slice %arg6[%dma_wait3A_110, %dma_wait3A_111] : memref<500x128xf32, #tpu.memory_space<vmem_shared>> -> memref<500x128xf32, #tpu.memory_space<vmem_shared>>
    tpu.wait_indirect_dma semaphore(%arg12 : memref<!tpu.dma_semaphore, #tpu.memory_space<semaphore_mem>>) src(%dma_wait3A_112 : memref<500x128xf32, #tpu.memory_space<vmem_shared>>) dst(%arg11 : memref<128x128xf32, #tpu.memory_space<vmem>>)
    %add3A_113 = arith.constant 384 : i32
    %add3A_114 = arith.addi %mul3A_2, %add3A_113 : i32
    %dma_start3A_115 = arith.constant 0 : i32
    %dma_start3A_116 = tpu.memref_slice %arg5[%add3A_114, %dma_start3A_115] : memref<16384x128xf32, #tpu.memory_space<hbm>> -> memref<128x128xf32, #tpu.memory_space<hbm>>
    %dma_start3A_117 = arith.constant 0 : i32
    %dma_start3A_118 = tpu.memref_slice %arg5[%add3A_114, %dma_start3A_117] : memref<16384x128xf32, #tpu.memory_space<hbm>> -> memref<128x128xf32, #tpu.memory_space<hbm>>
    tpu.enqueue_dma source(%arg11 : memref<128x128xf32, #tpu.memory_space<vmem>>) target(%dma_start3A_118 : memref<128x128xf32, #tpu.memory_space<hbm>>) target_semaphore(%arg14 : memref<!tpu.dma_semaphore, #tpu.memory_space<semaphore_mem>>)
    %dma_wait3A_119 = arith.constant 0 : i32
    %dma_wait3A_120 = tpu.memref_slice %arg5[%add3A_84, %dma_wait3A_119] : memref<16384x128xf32, #tpu.memory_space<hbm>> -> memref<128x128xf32, #tpu.memory_space<hbm>>
    %dma_wait3A_121 = arith.constant 0 : i32
    %dma_wait3A_122 = tpu.memref_slice %arg5[%add3A_84, %dma_wait3A_121] : memref<16384x128xf32, #tpu.memory_space<hbm>> -> memref<128x128xf32, #tpu.memory_space<hbm>>
    tpu.wait_dma2 semaphore(%arg13 : memref<!tpu.dma_semaphore, #tpu.memory_space<semaphore_mem>>) src(%arg10 : memref<128x128xf32, #tpu.memory_space<vmem>>) dst(%dma_wait3A_122 : memref<128x128xf32, #tpu.memory_space<hbm>>)
    %dma_wait3A_123 = arith.constant 0 : i32
    %dma_wait3A_124 = tpu.memref_slice %arg5[%add3A_114, %dma_wait3A_123] : memref<16384x128xf32, #tpu.memory_space<hbm>> -> memref<128x128xf32, #tpu.memory_space<hbm>>
    %dma_wait3A_125 = arith.constant 0 : i32
    %dma_wait3A_126 = tpu.memref_slice %arg5[%add3A_114, %dma_wait3A_125] : memref<16384x128xf32, #tpu.memory_space<hbm>> -> memref<128x128xf32, #tpu.memory_space<hbm>>
    tpu.wait_dma2 semaphore(%arg14 : memref<!tpu.dma_semaphore, #tpu.memory_space<semaphore_mem>>) src(%arg11 : memref<128x128xf32, #tpu.memory_space<vmem>>) dst(%dma_wait3A_126 : memref<128x128xf32, #tpu.memory_space<hbm>>)
    return
  }
}

</mosaic_0001>

<sc_bundles>
// kernel: _pe_lookup.3.cloned.1.call-start
scs
__scs_entry_jumppad:
0x0: {  	(pc) =	sbr.rel $0x88, $3  }
0x1: {  	(tag) =	ssettag $0x0;
	lr =	simm.s32 $0x1  }
0x2: {  	[smem:$0x3F9E] =	sst lr;
	_ =	strace $0xD0000000  }
0x3: {  	_ = 	snop  }
0x4: {  	_ = 	snop  }
0x5: {  	_ = 	snop  }
0x6: {  	_ = 	snop  }
0x7: {  	_ = 	snop  }
__scs_overlays_trampoline_lowered:
0x8: {  	[smem:$0x3FAD] =	sst s0  }
0x9: {  	[smem:$0x3FAE] =	sst s1  }
0xa: {  	[smem:$0x3FAF] =	sst s2  }
0xb: {  	[smem:$0x3FB0] =	sst s3  }
0xc: {  	[smem:$0x3FB1] =	sst s4  }
0xd: {  	[smem:$0x3FB2] =	sst s5  }
0xe: {  	[smem:$0x3FB3] =	sst s6  }
0xf: {  	[smem:$0x3FB4] =	sst s7  }
0x10: {  	[smem:$0x3FB5] =	sst s8  }
0x11: {  	[smem:$0x3FB6] =	sst s9;
	s0 =	simm.s32 @!p0 $0x0  }
0x12: {  	s1 =	sld [smem:$0x3F9C];
	s0 =	simm.s32 @p0 $0x1  }
0x13: {  	[smem:$0x3FB7] =	sst s0;
	s0 =	simm.s32 @!p1 $0x0  }
0x14: {  	s2 =	sld [smem:$0x3F9B];
	s0 =	simm.s32 @p1 $0x1  }
0x15: {  	[smem:$0x3FB8] =	sst s0;
	s0 =	simm.s32 @!p2 $0x0  }
0x16: {  	s3 =	sld [smem:$0x3FDB];
	s0 =	simm.s32 @p2 $0x1  }
0x17: {  	s4 =	simm.s32 $0x1BF5;
	[smem:$0x3FBA] =	sst s0  }
0x18: {  	s0 =	sld [smem:$0x3F9D];
	_ =	swait.ge [sflag:s4], $0x0  }
0x19: {  	s7 =	sld [smem:$0x3F9E]  }
0x1a: {  	s8 =	sadd.s32 $0xFFFFE003, lr  }
0x1b: {  	s9 =	sadd.s32 $0xFFFFFEF7, lr;
	s5 =	simm.s32 $0xFFFFFFFF;
	p2 =	slt.u32 s8, $0xFFFFF086  }
0x1c: {  	p1 =	slt.u32 s9, $0xF7A;
	s5 =	simm.s32 @!p2 $0x0  }
0x1d: {  	s5 =	simm.s32 @p1 $0x1;
	p0 =	seq.s32 s7, s2  }
0x1e: {  	s7 =	smul.u32 @!p0 $0xF7A, s2;
	p2 =	seq.s32 @!p0 s5, $0x0  }
0x1f: {  	s9 =	smul.u32 $0xF7A, s1;
	s8 =	simm.s32 @!p0 $0x1BF5;
	p2 =	por !p2, p0  }
0x20: {  	[sflag:s8] =	ssyncset.s32 @!p0 $0xFFFFF086;
	s6 =	sadd.s32 @!p0 s3, s7;
	s7 =	simm.s32 @!p0 $0x108  }
0x21: {  	s3 =	sadd.s32 s3, s9;
	s6 =	sadd.s32 @!p0 $0x88, s6;
	s7 =	simm.s32 @p2 $0x1082  }
0x22: {  	[simem:s7], [sflag:s8] =	dma.local @!p0 [hbm:s6], $0xF7A  }
0x23: {  	s9 =	sor.u32 $0xD0000000, s2;
	s6 =	simm.s32 $0x108;
	_ =	swait.ge @!p0 [sflag:s8], $0x0  }
0x24: {  	s3 =	sadd.s32 $0x88, s3;
	s6 =	simm.s32 @!p1 $0x1082;
	[sflag:s4] =	ssyncset.s32 $0xFFFFF086  }
0x25: {  	[simem:s6], [sflag:s4] =	dma.local [hbm:s3], $0xF7A  }
0x26: {  	[smem:$0x3F9E] =	sst s1;
	(tag) =	ssettag s2;
	_ =	strace s9  }
0x27: {  	s1 =	sld [smem:$0x3FAE]  }
0x28: {  	s2 =	sld [smem:$0x3FAF]  }
0x29: {  	s4 =	sld [smem:$0x3FB1]  }
0x2a: {  	p0 =	seq.s32 s5, $0x0;
	s5 =	sld [smem:$0x3FB2]  }
0x2b: {  	s6 =	sld [smem:$0x3FB3]  }
0x2c: {  	s7 =	sld [smem:$0x3FB4]  }
0x2d: {  	s3 =	simm.s32 $0x108;
	s8 =	sld [smem:$0x3FB5]  }
0x2e: {  	s3 =	simm.s32 @!p0 $0x1082;
	s9 =	sld [smem:$0x3FB6]  }
0x2f: {  	lr =	sadd.s32 s0, s3;
	s0 =	sld [smem:$0x3FAD]  }
0x30: {  	s3 =	sld [smem:$0x3FB0]  }
0x31: {  	[smem:$0x3FB9] =	sst s10  }
0x32: {  	s10 =	sld [smem:$0x3FB7];
	_ =	sdelay $0x3  }
0x33: {  	p0 =	seq.s32 s10, $0x1;
	s10 =	sld [smem:$0x3FB9];
	_ =	sdelay $0x3  }
0x34: {  	[smem:$0x3FB9] =	sst s10  }
0x35: {  	s10 =	sld [smem:$0x3FB8];
	_ =	sdelay $0x3  }
0x36: {  	p1 =	seq.s32 s10, $0x1;
	s10 =	sld [smem:$0x3FB9];
	_ =	sdelay $0x3  }
0x37: {  	[smem:$0x3FB9] =	sst s10  }
0x38: {  	s10 =	sld [smem:$0x3FBA]  }
0x39: {  	_ = 	snop;
	(pc) =	sbr.ind lr, $3  }
0x3a: {  	_ = 	snop  }
0x3b: {  	_ = 	snop  }
0x3c: {  	p2 =	seq.s32 s10, $0x1;
	s10 =	sld [smem:$0x3FB9]  }
0x3d: {  	_ =	shalt  }
0x3e: {  	_ =	shalt  }
0x3f: {  	_ =	shalt  }
0x40: {  	_ =	shalt  }
0x41: {  	_ =	shalt  }
0x42: {  	_ =	shalt  }
0x43: {  	_ =	shalt  }
0x44: {  	_ =	shalt  }
0x45: {  	_ =	shalt  }
0x46: {  	_ =	shalt  }
0x47: {  	_ =	shalt  }
0x48: {  	_ =	shalt  }
0x49: {  	_ =	shalt  }
0x4a: {  	_ =	shalt  }
0x4b: {  	_ =	shalt  }
0x4c: {  	_ =	shalt  }
0x4d: {  	_ =	shalt  }
0x4e: {  	_ =	shalt  }
0x4f: {  	_ =	shalt  }
0x50: {  	_ =	shalt  }
0x51: {  	_ =	shalt  }
0x52: {  	_ =	shalt  }
0x53: {  	_ =	shalt  }
0x54: {  	_ =	shalt  }
0x55: {  	_ =	shalt  }
0x56: {  	_ =	shalt  }
0x57: {  	_ =	shalt  }
0x58: {  	_ =	shalt  }
0x59: {  	_ =	shalt  }
0x5a: {  	_ =	shalt  }
0x5b: {  	_ =	shalt  }
0x5c: {  	_ =	shalt  }
0x5d: {  	_ =	shalt  }
0x5e: {  	_ =	shalt  }
0x5f: {  	_ =	shalt  }
0x60: {  	_ =	shalt  }
0x61: {  	_ =	shalt  }
0x62: {  	_ =	shalt  }
0x63: {  	_ =	shalt  }
0x64: {  	_ =	shalt  }
0x65: {  	_ =	shalt  }
0x66: {  	_ =	shalt  }
0x67: {  	_ =	shalt  }
0x68: {  	_ =	shalt  }
0x69: {  	_ =	shalt  }
0x6a: {  	_ =	shalt  }
0x6b: {  	_ =	shalt  }
0x6c: {  	_ =	shalt  }
0x6d: {  	_ =	shalt  }
0x6e: {  	_ =	shalt  }
0x6f: {  	_ =	shalt  }
0x70: {  	_ =	shalt  }
0x71: {  	_ =	shalt  }
0x72: {  	_ =	shalt  }
0x73: {  	_ =	shalt  }
0x74: {  	_ =	shalt  }
0x75: {  	_ =	shalt  }
0x76: {  	_ =	shalt  }
0x77: {  	_ =	shalt  }
0x78: {  	_ =	shalt  }
0x79: {  	_ =	shalt  }
0x7a: {  	_ =	shalt  }
0x7b: {  	_ =	shalt  }
0x7c: {  	_ =	shalt  }
0x7d: {  	_ =	shalt  }
0x7e: {  	_ =	shalt  }
0x7f: {  	_ =	shalt  }
0x80: {  	_ =	shalt  }
0x81: {  	_ =	shalt  }
0x82: {  	_ =	shalt  }
0x83: {  	_ =	shalt  }
0x84: {  	_ =	shalt  }
0x85: {  	_ =	shalt  }
0x86: {  	_ =	shalt  }
0x87: {  	_ =	shalt  }
.Lfunc_end0:
.L_simem_size_0:
called_computation_lowered:
.L_overlay_start_0:
0x88: {  	s2 =	sld [smem:$0x3FD9]  }
0x89: {  	s3 =	sld [smem:$0x3FFE];
	_ =	sdelay $0x1  }
0x8a: {  	s1 =	srdreg.scid  }
0x8b: {  	s0 =	sand.u32 $0x1, s1  }
0x8c: {  	s18 =	sshll.u32 s0, $0xA;
	s2 =	sadd.s32 s3, s2  }
0x8d: {  	s2 =	sadd.s32 s2, s18  }
0x8e: {  	[smem:$0x3FC5] =	sst s2  }
0x8f: {  	_ = 	snop  }
0x90: {  	s2 =	sld [smem:$0x3FC9]  }
0x91: {  	s19 =	sld [smem:$0x3FC8]  }
0x92: {  	s4 =	sld [smem:$0x3FC7]  }
0x93: {  	s5 =	sld [smem:$0x3FD0];
	(tm) =	ssettm $0x1  }
0x94: {  	s6 =	sld [smem:$0x3FFB];
	_ =	sdelay $0x3  }
0x95: {  	_ =	strace s6  }
0x96: {  	s6 =	sld [smem:$0x3FFC];
	_ =	sdelay $0x3  }
0x97: {  	_ =	strace s6  }
0x98: {  	s6 =	sld [smem:$0x3FFD];
	_ =	sdelay $0x3  }
0x99: {  	_ =	strace s6  }
0x9a: {  	_ =	strace $0x8FFFFFFF  }
0x9b: {  	s20 =	sld [smem:$0x3FDB];
	_ =	sdelay $0x1  }
0x9c: {  	s7 =	simm.s32 $_scs_section_size  }
0x9d: {  	s8 =	simm.s32 $_size__tile_overlayer_lowered;
	s9 =	simm.s32 $_tile_overlayer_lowered  }
0x9e: {  	s23 =	simm.s32 $0x1BFF;
	s22 =	sshll.u32 s9, $0x1;
	s6 =	sadd.s32 s7, s20  }
0x9f: {  	s10 =	simm.s32 $0x0;
	s21 =	sshll.u32 s8, $0x1;
	s8 =	sadd.s32 s22, s6  }
0xa0: {  	[timem:s10], [sflag:s23] =	dma.local [hbm:s8], s21  }
0xa1: {  	_ =	swait.ge [sflag:s23], s21  }
0xa2: {  	s7 =	ssub.s32 $0x0, s21;
	[sflag:s23] =	ssyncset.done $0x0  }
0xa3: {  	[sflag:s23] =	ssyncadd.s32 s7;
	_ =	sdelay $0x1  }
0xa4: {  	s24 =	simm.s32 $0x1B8B  }
0xa5: {  	_ =	swait.ge [sflag:s24], $0x1  }
0xa6: {  	[sflag:s24] =	ssyncset.done $0x0  }
0xa7: {  	s25 =	simm.s32 $0x1B8E;
	[sflag:s24] =	ssyncadd.s32 $0xFFFFFFFF  }
0xa8: {  	s26 =	simm.s32 $execute0_lowered;
	[smem:$0x3FD2] =	sst s25  }
0xa9: {  	s7 =	sshll.u32 s26, $0x1;
	_ =	strace $0x80000046;
	[dreg:$0x1] =	wrdreg $0xFFFFFFFF  }
0xaa: {  	s28 =	simm.s32 $_size_execute0_lowered;
	s6 =	sadd.s32 s6, s7;
	[dreg:$0x0] =	wrdreg $0x0  }
0xab: {  	s7 =	sshll.u32 s28, $0x1;
	[dreg:$0x2] =	wrdreg s6  }
0xac: {  	[dreg:$0x3] =	wrdreg s7  }
0xad: {  	[dreg:$0x4] =	wrdreg $0xC0  }
0xae: {  	_ =	task [dreg:s10], $0x5FFFF  }
0xaf: {  	[dreg:$0x1] =	wrdreg $0xFFFFFFFF  }
0xb0: {  	[dreg:$0x0] =	wrdreg $0x60  }
0xb1: {  	[dreg:$0x2] =	wrdreg s2  }
0xb2: {  	[dreg:$0x3] =	wrdreg s19  }
0xb3: {  	[dreg:$0x4] =	wrdreg s4  }
0xb4: {  	[dreg:$0x5] =	wrdreg s5  }
0xb5: {  	[dreg:$0x6] =	wrdreg $0x0  }
0xb6: {  	[dreg:$0x7] =	wrdreg $0x9  }
0xb7: {  	_ =	task.clear_ibuf [dreg:s10], $0x8FFFF;
	_ =	strace $0x90000046  }
0xb8: {  	s29 =	simm.s32 $0x9;
	_ =	strace $0x80000048  }
0xb9: {  	_ =	swait.ge [sflag:s29], $0x1  }
0xba: {  	[sflag:s29] =	ssyncadd.s32 $0xFFFFFFFF  }
0xbb: {  	_ =	strace $0x90000048  }
0xbc: {  	_ =	sfence  }
0xbd: {  	s30 =	sld [smem:$0x0];
	_ =	sdelay $0x2  }
0xbe: {  	s31 =	sshll.u32 s1, $0xD;
	s1 =	sshrl.u32 s1, $0x2  }
0xbf: {  	s3 =	sand.u32 $0x4000, s31;
	s1 =	sadd.s32 s1, s30  }
0xc0: {  	s0 =	sor.u32 s3, s0;
	s1 =	sshll.u32 s1, $0x11  }
0xc1: {  	s0 =	sor.u32 s1, s0  }
0xc2: {  	s0 =	sadd.s32 $0x8F2B, s0  }
0xc3: {  	[sflag:s0] =	ssyncadd.remote.s32 $0x1  }
0xc4: {  	_ =	sfence.sel $0xFFFF  }
0xc5: {  	[dreg:$0x0] =	wrdreg $0xFFFFFFFF;
	(pc) =	sbr.abs _section_cstart, $3  }
0xc6: {  	[dreg:$0x1] =	wrdreg $0xFFFFFFFF  }
0xc7: {  	_ =	task.clear_ibuf [dreg:s10], $0x2FFFF;
	_ =	strace $0x9FFFFFFF  }
0xc8: {  	(tm) =	ssettm $0x7FFFFFFF  }
0xc9: {  	_ =	shalt  }
tec
execute0_lowered:
.L_overlay_start_1:
0x0: {  	(tag) =	ssettag $0x1  }
0x1: {  	s0 =	rddreg [dreg:$0x0]  }
0x2: {  	s3 =	rddreg [dreg:$0x1]  }
0x3: {  	s4 =	rddreg [dreg:$0x2]  }
0x4: {  	s8 =	rddreg [dreg:$0x3];
	s2 =	srdreg.scid  }
0x5: {  	s1 =	rddreg [dreg:$0x4];
	s15 =	stileid.u32;
	s16 =	simm.s32 $0x4  }
0x6: {  	s17 =	simm.s32 $0xFA0;
	s18 =	simm.s32 $0x11A0;
	s19 =	simm.s32 $0x80  }
0x7: {  	s20 =	simm.s32 $0x23A0;
	s21 =	simm.s32 $0x1;
	s28 =	simm.s32 $0x12A0  }
0x8: {  	s29 =	simm.s32 $0x3;
	s30 =	simm.s32 $0x1120;
	s31 =	simm.s32 $0x1320  }
0x9: {  	s5 =	sand.u32 $0x1, s2;
	s2 =	simm.s32 $0x0;
	s22 =	sshll.u32 s15, $0xA  }
0xa: {  	s23 =	sshll.u32 s15, $0x9;
	s25 =	sshll.u32 s15, $0xC;
	p0 =	seq.s32 s15, $0xF  }
0xb: {  	s15 =	simm.s32 $0x13A0;
	s6 =	ssub.s32 $0x2, s5;
	[smem:$0x7FF] =	sst s2  }
0xc: {  	s5 =	sshll.u32 s5, $0x9;
	s24 =	sadd.s32 s4, s23;
	s23 =	simm.s32 $0x63A0  }
0xd: {  	s7 =	sshrl.u32 s6, $0x1;
	_ =	strace $0x80000047;
	s9 =	sor.u32 s5, s22  }
0xe: {  	[dreg:$0x6] =	wrdreg s24;
	s5 =	sadd.s32 s25, s1;
	s22 =	simm.s32 $0x1020  }
0xf: {  	s24 =	simm.s32 $0x1220;
	s25 =	simm.s32 $0x2;
	s14 =	ssub.s32 s6, s7  }
.Ltmp0:
0x10: {  	[dreg:$0x7] =	wrdreg s5;
	s6 =	sadd.s32 $0x1E00, s4;
	(pc) =	sbr.rel .LBB2_1-.Ltmp0, $4  }
0x11: {  	s26 =	sshll.u32 s9, $0x4;
	s7 =	sadd.s32 $0xF000, s1;
	s10 =	sshrl.u32 s9, $0x3  }
0x12: {  	s8 =	sadd.s32 s8, s26;
	s9 =	sadd.s32 s0, s10;
	s10 =	sadd.s32 s3, s10  }
0x13: {  	s14 =	smax.u32 s14, $0x1;
	s26 =	simm.s32 $0x10A0;
	s0 =	simm.s32 $0x0  }
0x14: {  	s11 =	sadd.s32 $0x800, s8;
	s12 =	sadd.s32 $0x1000, s8;
	s13 =	sadd.s32 $0x1800, s8  }
.LBB2_7:
0x15: {  	[tilespmem:s3+$0x13A0] =	vst v6;
	v4 =	vmul.f32 $5.000000000e-01, v4;
	v61 =	vld [tilespmem:s3+$0x1410]  }
0x16: {  	[tilespmem:s3+$0x13B0] =	vst v5;
	v2 =	vmul.f32 $5.000000000e-01, v2  }
0x17: {  	v0 =	vmul.f32 $5.000000000e-01, v0;
	[tilespmem:s3+$0x13C0] =	vst v4  }
0x18: {  	v1 =	vmul.f32 $5.000000000e-01, v1;
	[tilespmem:s3+$0x13D0] =	vst v2  }
0x19: {  	v62 =	vmul.f32 $5.000000000e-01, v3;
	[tilespmem:s3+$0x13E0] =	vst v0  }
0x1a: {  	[tilespmem:s3+$0x13F0] =	vst v1;
	v63 =	vmul.f32 $5.000000000e-01, v61  }
0x1b: {  	[tilespmem:s3+$0x1400] =	vst v62  }
0x1c: {  	[tilespmem:s3+$0x1410] =	vst v63  }
0x1d: {  	[spmem:s7] =	stream.linear.scatter [tilespmem:s15], [sflag:$0x4], $0xA00, $0x38;
	[tilespmem:$0xA3A0] =	vst v63  }
0x1e: {  	_ =	swait.ge [sflag:s16], $0xA00  }
0x1f: {  	[sflag:s16] =	ssyncset.done $0x0  }
0x20: {  	[sflag:s16] =	ssyncadd.s32 $0xFFFFF600  }
.LBB2_8:
0x21: {  	[tilespmem:s17], [sflag:$0x4] =	stream.linear.gather [hbm4b:s9+s2], $0x200, $0x38;
	[tilespmem:$0xA3A0] =	vst v63  }
0x22: {  	_ =	swait.ge [sflag:s16], $0x200  }
0x23: {  	[sflag:s16] =	ssyncset.done $0x0  }
0x24: {  	[sflag:s16] =	ssyncadd.s32 $0xFFFFFE00  }
0x25: {  	[tilespmem:s18], [sflag:$0x4] =	stream.linear.gather [hbm4b:s10+s2], $0x200, $0x38;
	[tilespmem:$0xA3A0] =	vst v63  }
0x26: {  	_ =	swait.ge [sflag:s16], $0x200  }
0x27: {  	[sflag:s16] =	ssyncset.done $0x0  }
0x28: {  	[sflag:s16] =	ssyncadd.s32 $0xFFFFFE00  }
0x29: {  	[bflag:$0x0] =	sbarrier.arrive $0xFFFF  }
0x2a: {  	[tilespmem:s20], [sflag:$0x1] =	stream.indirect.gather [spmem:s1], $0x80, s17, s19, $0xb8;
	[tilespmem:$0xA3A0] =	vst v63  }
0x2b: {  	_ =	swait.ge [sflag:s21], $0x4000  }
0x2c: {  	[sflag:s21] =	ssyncset.done $0x0  }
0x2d: {  	[sflag:s21] =	ssyncadd.s32 $0xFFFFC000  }
0x2e: {  	[tilespmem:s20], [sflag:$0x1] =	stream.indirect.gather.add.f32 [spmem:s1], $0x80, s18, s19, $0xb8;
	[tilespmem:$0xA3A0] =	vst v63  }
0x2f: {  	_ =	swait.ge [sflag:s21], $0x4000  }
0x30: {  	[sflag:s21] =	ssyncset.done $0x0  }
0x31: {  	[sflag:s21] =	ssyncadd.s32 $0xFFFFC000  }
0x32: {  	[hbm4b:s8+s2] =	stream.linear.scatter [tilespmem:s20], [sflag:$0x2], $0x4000, $0x38;
	[tilespmem:$0xA3A0] =	vst v63  }
0x33: {  	_ = 	snop  }
0x34: {  	[tilespmem:s23], [sflag:$0x1] =	stream.indirect.gather [spmem:s1], $0x80, s22, s19, $0xb8;
	[tilespmem:$0xA3A0] =	vst v63  }
0x35: {  	_ =	swait.ge [sflag:s21], $0x4000  }
0x36: {  	[sflag:s21] =	ssyncset.done $0x0  }
0x37: {  	[sflag:s21] =	ssyncadd.s32 $0xFFFFC000  }
0x38: {  	[tilespmem:s23], [sflag:$0x1] =	stream.indirect.gather.add.f32 [spmem:s1], $0x80, s24, s19, $0xb8;
	[tilespmem:$0xA3A0] =	vst v63  }
0x39: {  	_ =	swait.ge [sflag:s21], $0x4000  }
0x3a: {  	[sflag:s21] =	ssyncset.done $0x0  }
0x3b: {  	[sflag:s21] =	ssyncadd.s32 $0xFFFFC000  }
0x3c: {  	[hbm4b:s11+s2] =	stream.linear.scatter [tilespmem:s23], [sflag:$0x3], $0x4000, $0x38;
	[tilespmem:$0xA3A0] =	vst v63  }
0x3d: {  	_ =	swait.ge [sflag:s25], $0x4000  }
0x3e: {  	[sflag:s25] =	ssyncset.done $0x0  }
0x3f: {  	[sflag:s25] =	ssyncadd.s32 $0xFFFFC000  }
0x40: {  	[tilespmem:s20], [sflag:$0x1] =	stream.indirect.gather [spmem:s1], $0x80, s26, s19, $0xb8;
	[tilespmem:$0xA3A0] =	vst v63  }
0x41: {  	_ =	swait.ge [sflag:s21], $0x4000  }
0x42: {  	[sflag:s21] =	ssyncset.done $0x0  }
0x43: {  	[sflag:s21] =	ssyncadd.s32 $0xFFFFC000  }
0x44: {  	[tilespmem:s20], [sflag:$0x1] =	stream.indirect.gather.add.f32 [spmem:s1], $0x80, s28, s19, $0xb8;
	[tilespmem:$0xA3A0] =	vst v63  }
0x45: {  	_ =	swait.ge [sflag:s21], $0x4000  }
0x46: {  	[sflag:s21] =	ssyncset.done $0x0  }
0x47: {  	[sflag:s21] =	ssyncadd.s32 $0xFFFFC000  }
0x48: {  	[hbm4b:s12+s2] =	stream.linear.scatter [tilespmem:s20], [sflag:$0x2], $0x4000, $0x38;
	[tilespmem:$0xA3A0] =	vst v63  }
0x49: {  	_ =	swait.ge [sflag:s29], $0x4000  }
0x4a: {  	[sflag:s29] =	ssyncset.done $0x0  }
0x4b: {  	[sflag:s29] =	ssyncadd.s32 $0xFFFFC000  }
0x4c: {  	[tilespmem:s23], [sflag:$0x1] =	stream.indirect.gather [spmem:s1], $0x80, s30, s19, $0xb8;
	[tilespmem:$0xA3A0] =	vst v63  }
0x4d: {  	_ =	swait.ge [sflag:s21], $0x4000  }
0x4e: {  	[sflag:s21] =	ssyncset.done $0x0  }
0x4f: {  	[sflag:s21] =	ssyncadd.s32 $0xFFFFC000  }
0x50: {  	[tilespmem:s23], [sflag:$0x1] =	stream.indirect.gather.add.f32 [spmem:s1], $0x80, s31, s19, $0xb8;
	[tilespmem:$0xA3A0] =	vst v63  }
0x51: {  	_ =	swait.ge [sflag:s21], $0x4000  }
0x52: {  	[sflag:s21] =	ssyncset.done $0x0  }
0x53: {  	s0 =	sadd.s32 $0x1, s0;
	[sflag:s21] =	ssyncadd.s32 $0xFFFFC000  }
0x54: {  	[hbm4b:s13+s2] =	stream.linear.scatter [tilespmem:s23], [sflag:$0x3], $0x4000, $0x38;
	[tilespmem:$0xA3A0] =	vst v63  }
0x55: {  	p1 =	sne.s32 s0, s14;
	_ =	swait.ge [sflag:s25], $0x4000  }
.Ltmp1:
0x56: {  	[sflag:s25] =	ssyncset.done $0x0;
	(pc) =	sbr.rel @!p1 .LBB2_9-.Ltmp1, $4  }
0x57: {  	[sflag:s25] =	ssyncadd.s32 $0xFFFFC000  }
0x58: {  	_ =	swait.ge [sflag:s29], $0x4000  }
0x59: {  	[sflag:s29] =	ssyncset.done $0x0  }
0x5a: {  	[sflag:s29] =	ssyncadd.s32 $0xFFFFC000  }
.LBB2_1:
.Ltmp2:
0x5b: {  	(pc) =	sbr.rel @!p0 .LBB2_2-.Ltmp2, $2  }
0x5c: {  	_ =	sdelay $0x2  }
0x5d: {  	s3 =	simm.s32 $0x0  }
0x5e: {  	[tilespmem:s15], [sflag:$0x4] =	stream.linear.gather [hbm4b:s6+s3], $0xA00, $0x38;
	[tilespmem:$0xA3A0] =	vst v63  }
0x5f: {  	_ =	swait.ge [sflag:s16], $0xA00  }
0x60: {  	[sflag:s16] =	ssyncset.done $0x0  }
0x61: {  	s3 =	simm.s32 $0x0;
	[sflag:s16] =	ssyncadd.s32 $0xFFFFF600  }
0x62: {  	v3 =	vld [tilespmem:s3+$0x13A0]  }
0x63: {  	v5 =	vld [tilespmem:s3+$0x13B0]  }
0x64: {  	v4 =	vld [tilespmem:s3+$0x13C0]  }
0x65: {  	v2 =	vld [tilespmem:s3+$0x13D0]  }
0x66: {  	v0 =	vld [tilespmem:s3+$0x13E0]  }
0x67: {  	v1 =	vld [tilespmem:s3+$0x13F0];
	v6 =	vmul.f32 $5.000000000e-01, v3  }
0x68: {  	s4 =	simm.s32 $0x200;
	v5 =	vmul.f32 $5.000000000e-01, v5;
	v3 =	vld [tilespmem:s3+$0x1400]  }
.LBB2_6:
0x69: {  	s5 =	sshra.s32 s4, $0x2;
	p1 =	sne.s32 s4, $0x2600;
	[tilespmem:s3+$0x13A0] =	vst v6;
	v4 =	vmul.f32 $5.000000000e-01, v4;
	v6 =	vld [tilespmem:s3+$0x1410]  }
0x6a: {  	v2 =	vmul.f32 $5.000000000e-01, v2;
	v7 =	vld [tilespmem:s5+$0x13A0];
	[tilespmem:s3+$0x13B0] =	vst v5  }
0x6b: {  	v0 =	vmul.f32 $5.000000000e-01, v0;
	v5 =	vld [tilespmem:s5+$0x13B0];
	[tilespmem:s3+$0x13C0] =	vst v4  }
.Ltmp3:
0x6c: {  	v1 =	vmul.f32 $5.000000000e-01, v1;
	v4 =	vld [tilespmem:s5+$0x13C0];
	[tilespmem:s3+$0x13D0] =	vst v2;
	(pc) =	sbr.rel @p1 .LBB2_6-.Ltmp3, $4  }
0x6d: {  	v3 =	vmul.f32 $5.000000000e-01, v3;
	v2 =	vld [tilespmem:s5+$0x13D0];
	[tilespmem:s3+$0x13E0] =	vst v0  }
0x6e: {  	v0 =	vld [tilespmem:s5+$0x13E0];
	[tilespmem:s3+$0x13F0] =	vst v1;
	v8 =	vmul.f32 $5.000000000e-01, v6  }
0x6f: {  	v6 =	vmul.f32 $5.000000000e-01, v7;
	v1 =	vld [tilespmem:s5+$0x13F0];
	[tilespmem:s3+$0x1400] =	vst v3  }
0x70: {  	s4 =	sadd.s32 $0x200, s4;
	v5 =	vmul.f32 $5.000000000e-01, v5;
	v3 =	vld [tilespmem:s5+$0x1400];
	[tilespmem:s3+$0x1410] =	vst v8;
	s3 =	smov.u32 s5  }
.Ltmp4:
0x71: {  	_ = 	snop;
	(pc) =	sbr.rel .LBB2_7-.Ltmp4, $1  }
0x72: {  	_ =	sdelay $0x3  }
.LBB2_2:
0x73: {  	s4 =	rddreg [dreg:$0x6]  }
0x74: {  	[tilespmem:s15], [sflag:$0x4] =	stream.linear.gather [hbm4b:s4+s3], $0x1000, $0x38;
	[tilespmem:$0xA3A0] =	vst v63  }
0x75: {  	_ =	swait.ge [sflag:s16], $0x1000  }
0x76: {  	[sflag:s16] =	ssyncset.done $0x0  }
0x77: {  	s3 =	simm.s32 $0x0;
	[sflag:s16] =	ssyncadd.s32 $0xFFFFF000  }
0x78: {  	v3 =	vld [tilespmem:s3+$0x13A0]  }
0x79: {  	v5 =	vld [tilespmem:s3+$0x13B0]  }
0x7a: {  	v4 =	vld [tilespmem:s3+$0x13C0]  }
0x7b: {  	v2 =	vld [tilespmem:s3+$0x13D0]  }
0x7c: {  	v0 =	vld [tilespmem:s3+$0x13E0]  }
0x7d: {  	v1 =	vld [tilespmem:s3+$0x13F0];
	v6 =	vmul.f32 $5.000000000e-01, v3  }
0x7e: {  	s4 =	simm.s32 $0x200;
	v5 =	vmul.f32 $5.000000000e-01, v5;
	v3 =	vld [tilespmem:s3+$0x1400]  }
.LBB2_3:
0x7f: {  	s5 =	sshra.s32 s4, $0x2;
	p1 =	sne.s32 s4, $0x3E00;
	[tilespmem:s3+$0x13A0] =	vst v6;
	v4 =	vmul.f32 $5.000000000e-01, v4;
	v6 =	vld [tilespmem:s3+$0x1410]  }
0x80: {  	v7 =	vld [tilespmem:s5+$0x13A0];
	[tilespmem:s3+$0x13B0] =	vst v5;
	v2 =	vmul.f32 $5.000000000e-01, v2  }
0x81: {  	v5 =	vld [tilespmem:s5+$0x13B0];
	[tilespmem:s3+$0x13C0] =	vst v4;
	v0 =	vmul.f32 $5.000000000e-01, v0  }
.Ltmp5:
0x82: {  	v4 =	vld [tilespmem:s5+$0x13C0];
	[tilespmem:s3+$0x13D0] =	vst v2;
	v1 =	vmul.f32 $5.000000000e-01, v1;
	(pc) =	sbr.rel @p1 .LBB2_3-.Ltmp5, $4  }
0x83: {  	v2 =	vld [tilespmem:s5+$0x13D0];
	[tilespmem:s3+$0x13E0] =	vst v0;
	v3 =	vmul.f32 $5.000000000e-01, v3  }
0x84: {  	v0 =	vld [tilespmem:s5+$0x13E0];
	[tilespmem:s3+$0x13F0] =	vst v1;
	v8 =	vmul.f32 $5.000000000e-01, v6  }
0x85: {  	v6 =	vmul.f32 $5.000000000e-01, v7;
	v1 =	vld [tilespmem:s5+$0x13F0];
	[tilespmem:s3+$0x1400] =	vst v3  }
0x86: {  	s4 =	sadd.s32 $0x200, s4;
	v5 =	vmul.f32 $5.000000000e-01, v5;
	v3 =	vld [tilespmem:s5+$0x1400];
	[tilespmem:s3+$0x1410] =	vst v8;
	s3 =	smov.u32 s5  }
0x87: {  	[tilespmem:s3+$0x13A0] =	vst v6;
	v4 =	vmul.f32 $5.000000000e-01, v4;
	v61 =	vld [tilespmem:s3+$0x1410]  }
0x88: {  	[tilespmem:s3+$0x13B0] =	vst v5;
	v2 =	vmul.f32 $5.000000000e-01, v2  }
0x89: {  	[tilespmem:s3+$0x13C0] =	vst v4;
	v0 =	vmul.f32 $5.000000000e-01, v0  }
0x8a: {  	[tilespmem:s3+$0x13D0] =	vst v2;
	v1 =	vmul.f32 $5.000000000e-01, v1  }
0x8b: {  	[tilespmem:s3+$0x13E0] =	vst v0;
	v62 =	vmul.f32 $5.000000000e-01, v3  }
0x8c: {  	[tilespmem:s3+$0x13F0] =	vst v1;
	v63 =	vmul.f32 $5.000000000e-01, v61  }
0x8d: {  	[tilespmem:s3+$0x1400] =	vst v62  }
.Ltmp6:
0x8e: {  	s5 =	rddreg [dreg:$0x7];
	[tilespmem:s3+$0x1410] =	vst v63;
	(pc) =	sbr.rel .LBB2_8-.Ltmp6, $4  }
0x8f: {  	[spmem:s5] =	stream.linear.scatter [tilespmem:s15], [sflag:$0x4], $0x1000, $0x38;
	[tilespmem:$0xA3A0] =	vst v63  }
0x90: {  	_ =	swait.ge [sflag:s16], $0x1000  }
0x91: {  	[sflag:s16] =	ssyncset.done $0x0  }
0x92: {  	[sflag:s16] =	ssyncadd.s32 $0xFFFFF000  }
.LBB2_9:
0x93: {  	_ =	sfence.sel $0x180000  }
0x94: {  	[bflag:$0x0] =	sbarrier.arrive $0xFFFF  }
0x95: {  	_ =	strace $0x90000047  }
0x96: {  	s0 =	stileid.u32;
	[bflag:$0x2] =	sbarrier.arrive $0xFFFF  }
0x97: {  	p0 =	sne.s32 s0, $0x0;
	s0 =	rddreg [dreg:$0x5]  }
0x98: {  	s0 =	sadd.s32 @!p0 $0x100000, s0  }
0x99: {  	[sflag:s0] =	ssyncadd.tile.s32 @!p0 $0x1;
	_ =	shalt  }
.Lfunc_end2:
_tile_overlayer_lowered:
.L_overlay_start_2:
0x9a: {  	(tag) =	ssettag $0x2  }
0x9b: {  	s0 =	rddreg [dreg:$0x0];
	s2 =	stileid.u32  }
0x9c: {  	s1 =	rddreg [dreg:$0x1];
	p0 =	sne.s32 s2, $0x0  }
0x9d: {  	s3 =	rddreg [dreg:$0x2];
	[bflag:$0x3] =	sbarrier.arrive $0xFFFF;
	s2 =	simm.s32 @!p0 $0x1C04  }
0x9e: {  	[timem:s3], [sflag:s2] =	dma.local @!p0 [hbm:s0], s1  }
0x9f: {  	s0 =	simm.s32 @!p0 $0x4  }
0xa0: {  	_ =	swait.ge @!p0 [sflag:s0], s1  }
0xa1: {  	s1 =	ssub.s32 @!p0 $0x0, s1;
	[sflag:s0] =	ssyncset.done @!p0 $0x0  }
0xa2: {  	[sflag:s0] =	ssyncadd.s32 @!p0 s1  }
0xa3: {  	[bflag:$0x3] =	sbarrier.arrive $0xFFFF  }
0xa4: {  	_ =	shalt  }

</sc_bundles>
